<compile_context>
chip_gen: v7x
topology: tpu7x:2x2x1
jax: 0.10.2.dev20260603
libtpu: 0.0.44.dev20260713+nightly
codegen_flags: <defaults>
</compile_context>

<pallas_src>
import functools

import jax
import jax.numpy as jnp
from jax import lax
from jax.experimental import pallas as pl
from jax.experimental.pallas import tpu as pltpu
from jax.experimental.pallas import tpu_sc as plsc

NC = 2
NS = 16
NW = NC * NS
LANES = 16
SEQS_PER_CHUNK = 4


@functools.lru_cache(maxsize=None)
def _make_kernel(batch, maxlen, embed, vocab):
    rows = batch * maxlen
    assert rows % NW == 0
    rpw = rows // NW
    ch = SEQS_PER_CHUNK * maxlen
    assert rpw % (2 * ch) == 0
    nchunk = rpw // ch
    half = embed // 2
    assert embed == 2 * LANES

    mesh = plsc.VectorSubcoreMesh(core_axis_name="c", subcore_axis_name="s")

    @functools.partial(
        pl.kernel,
        out_type=jax.ShapeDtypeStruct((batch, maxlen, embed), jnp.float32),
        mesh=mesh,
        scratch_types=[
            pltpu.VMEM((ch,), jnp.int32),
            pltpu.VMEM((ch,), jnp.int32),
            pltpu.VMEM((ch, embed), jnp.float32),
            pltpu.VMEM((ch, embed), jnp.float32),
            pltpu.VMEM((maxlen, embed), jnp.float32),
            pltpu.SemaphoreType.DMA,
            pltpu.SemaphoreType.DMA,
            pltpu.SemaphoreType.DMA,
            pltpu.SemaphoreType.DMA,
            pltpu.SemaphoreType.DMA,
            pltpu.SemaphoreType.DMA,
        ],
        compiler_params=pltpu.CompilerParams(use_tc_tiling_on_sc=False),
    )
    def k(x_hbm, tok_hbm, pos_hbm, out_hbm,
          ib0, ib1, rows0, rows1, pos_v,
          si0, si1, sg0, sg1, so0, so1):
        wid = lax.axis_index("s") * NC + lax.axis_index("c")
        base = wid * rpw
        sq0 = wid * (rpw // maxlen)
        ib = (ib0, ib1)
        bufs = (rows0, rows1)
        si = (si0, si1)
        sg = (sg0, sg1)
        so = (so0, so1)

        pltpu.sync_copy(pos_hbm, pos_v)
        pltpu.sync_copy(x_hbm.at[wid, 0], ib0)
        pltpu.async_copy(tok_hbm.at[ib0], rows0, sg0)
        pltpu.async_copy(x_hbm.at[wid, 1], ib1, si1)

        def pair_body(gi, carry):
            for b in range(2):
                i = 2 * gi + b
                rb, rnb = bufs[b], bufs[1 - b]

                @pl.when(i >= 1)
                def _wait_prev_out():
                    for kq in range(SEQS_PER_CHUNK):
                        pltpu.make_async_copy(
                            rnb.at[pl.ds(kq * maxlen, maxlen)],
                            out_hbm.at[sq0 + (i - 1) * SEQS_PER_CHUNK + kq],
                            so[1 - b]).wait()

                @pl.when(i + 1 < nchunk)
                def _fire_next_gather():
                    pltpu.make_async_copy(
                        x_hbm.at[wid, i + 1], ib[1 - b], si[1 - b]).wait()
                    pltpu.async_copy(tok_hbm.at[ib[1 - b]], rnb, sg[1 - b])

                pltpu.make_async_copy(tok_hbm.at[ib[b]], rb, sg[b]).wait()

                @pl.when(i + 2 < nchunk)
                def _fetch_next_idx():
                    pltpu.async_copy(x_hbm.at[wid, i + 2], ib[b], si[b])

                @plsc.parallel_loop(0, maxlen, unroll=2)
                def _add_t(t):
                    p0 = pos_v[t, pl.ds(0, LANES)]
                    p1 = pos_v[t, pl.ds(half, LANES)]
                    for rr in range(SEQS_PER_CHUNK):
                        r = rr * maxlen + t
                        rb[r, pl.ds(0, LANES)] = rb[r, pl.ds(0, LANES)] + p0
                        rb[r, pl.ds(half, LANES)] = (
                            rb[r, pl.ds(half, LANES)] + p1
                        )

                for kq in range(SEQS_PER_CHUNK):
                    pltpu.async_copy(
                        rb.at[pl.ds(kq * maxlen, maxlen)],
                        out_hbm.at[sq0 + i * SEQS_PER_CHUNK + kq], so[b])
            return carry

        lax.fori_loop(0, nchunk // 2, pair_body, 0)
        for kq in range(SEQS_PER_CHUNK):
            pltpu.make_async_copy(
                bufs[1].at[pl.ds(kq * maxlen, maxlen)],
                out_hbm.at[sq0 + (nchunk - 1) * SEQS_PER_CHUNK + kq],
                so[1]).wait()

    return k


def kernel(x, token_table, pos_table):
    batch, maxlen = x.shape
    vocab, embed = token_table.shape
    rows = batch * maxlen
    rpw = rows // NW
    ch = SEQS_PER_CHUNK * maxlen
    xf = x.reshape(NW, rpw // ch, ch).astype(jnp.int32)
    return _make_kernel(batch, maxlen, embed, vocab)(
        xf, token_table, pos_table
    )

# --- scband reference (transcript-rebuilt; emitter-appended) ---
"""Pipeline reference for scband-token-and-position-embedding-73194832658928 (READ-ONLY COPY).

The authoritative reference and input builder live on the scoring server;
editing this copy changes nothing except your own understanding.
"""

import jax, jax.numpy as jnp
import numpy as np

VOCAB = 1000000
MAXLEN = 200
EMBED = 32
BATCH = 4096

def setup_inputs(seed: int = 0) -> dict:
    key = jax.random.key(seed)
    k1, k2, k3 = jax.random.split(key, 3)
    x = jax.random.randint(k1, (BATCH, MAXLEN), 0, VOCAB, dtype=jnp.int64 if jax.config.jax_enable_x64 else jnp.int32)
    token_table = jax.random.normal(k2, (VOCAB, EMBED), dtype=jnp.float32) * 0.05
    pos_table = jax.random.normal(k3, (MAXLEN, EMBED), dtype=jnp.float32) * 0.05
    return {"x": x, "token_table": token_table, "pos_table": pos_table}

def reference(x, token_table, pos_table):
    maxlen = x.shape[-1]
    positions = jnp.arange(0, maxlen)
    pos = jnp.take(pos_table, positions, axis=0)          # [maxlen, embed]
    tok = jnp.take(token_table, x, axis=0)                # [B, maxlen, embed]
    return tok + pos[None, :, :]

if __name__ == "__main__":
    import jax
    _d = setup_inputs()
    print(jax.jit(kernel)(*tuple(_d.values())))

</pallas_src>

<mosaic_0001>
#map = affine_map<(d0, d1) -> (0, 0, 0)>
#map1 = affine_map<(d0, d1) -> (0, 0)>
module attributes {stable_mosaic.version = 14 : i64} {
  func.func @k(%arg0: i32, %arg1: i32, %arg2: memref<32x32x800xi32, #tpu.memory_space<hbm>>, %arg3: memref<1000000x32xf32, #tpu.memory_space<hbm>>, %arg4: memref<200x32xf32, #tpu.memory_space<hbm>>, %arg5: memref<4096x200x32xf32, #tpu.memory_space<hbm>>, %arg6: memref<800xi32, #tpu.memory_space<vmem>>, %arg7: memref<800xi32, #tpu.memory_space<vmem>>, %arg8: memref<800x32xf32, #tpu.memory_space<vmem>>, %arg9: memref<800x32xf32, #tpu.memory_space<vmem>>, %arg10: memref<200x32xf32, #tpu.memory_space<vmem>>, %arg11: memref<!tpu.dma_semaphore, #tpu.memory_space<semaphore_mem>>, %arg12: memref<!tpu.dma_semaphore, #tpu.memory_space<semaphore_mem>>, %arg13: memref<!tpu.dma_semaphore, #tpu.memory_space<semaphore_mem>>, %arg14: memref<!tpu.dma_semaphore, #tpu.memory_space<semaphore_mem>>, %arg15: memref<!tpu.dma_semaphore, #tpu.memory_space<semaphore_mem>>, %arg16: memref<!tpu.dma_semaphore, #tpu.memory_space<semaphore_mem>>) attributes {dimension_semantics = [#tpu.dimension_semantics<core_parallel>, #tpu.dimension_semantics<subcore_parallel>], iteration_bounds = array<i64: 2, 16>, scalar_prefetch = 0 : i64, scratch_operands = 11 : i64, tpu.core_type = #tpu.core_type<sc_vector_subcore>, window_params = [{transform_indices = #map}, {transform_indices = #map1}, {transform_indices = #map1}, {transform_indices = #map}]} {
    %mul3A = arith.constant 2 : i32
    %mul3A_0 = arith.muli %arg1, %mul3A : i32
    %add3A = arith.addi %mul3A_0, %arg0 : i32
    %mul3A_1 = arith.constant 25600 : i32
    %mul3A_2 = arith.muli %add3A, %mul3A_1 : i32
    %mul3A_3 = arith.constant 128 : i32
    %mul3A_4 = arith.muli %add3A, %mul3A_3 : i32
    "tpu.region"() ({
      %run_scoped3A_90 = tpu.sem_alloc : memref<!tpu.dma_semaphore, #tpu.memory_space<semaphore_mem>>
      tpu.enqueue_dma source(%arg4 : memref<200x32xf32, #tpu.memory_space<hbm>>) target(%arg10 : memref<200x32xf32, #tpu.memory_space<vmem>>) target_semaphore(%run_scoped3A_90 : memref<!tpu.dma_semaphore, #tpu.memory_space<semaphore_mem>>)
      tpu.wait_dma2 semaphore(%run_scoped3A_90 : memref<!tpu.dma_semaphore, #tpu.memory_space<semaphore_mem>>) src(%arg4 : memref<200x32xf32, #tpu.memory_space<hbm>>) dst(%arg10 : memref<200x32xf32, #tpu.memory_space<vmem>>)
      tpu.yield
    }) : () -> ()
    %run_scoped3A = arith.constant 0 : i32
    "tpu.region"() ({
      %run_scoped3A_90 = tpu.sem_alloc : memref<!tpu.dma_semaphore, #tpu.memory_space<semaphore_mem>>
      %dma_start3A_91 = arith.constant 0 : i32
      %dma_start3A_92 = tpu.memref_slice %arg2[%add3A, %run_scoped3A, %dma_start3A_91] : memref<32x32x800xi32, #tpu.memory_space<hbm>> -> memref<1x1x800xi32, #tpu.memory_space<hbm>>
      %dma_start3A_93 = tpu.memref_squeeze %dma_start3A_92 : memref<1x1x800xi32, #tpu.memory_space<hbm>> -> memref<800xi32, #tpu.memory_space<hbm>>
      %dma_start3A_94 = arith.constant 0 : i32
      %dma_start3A_95 = tpu.memref_slice %arg2[%add3A, %run_scoped3A, %dma_start3A_94] : memref<32x32x800xi32, #tpu.memory_space<hbm>> -> memref<1x1x800xi32, #tpu.memory_space<hbm>>
      %dma_start3A_96 = tpu.memref_squeeze %dma_start3A_95 : memref<1x1x800xi32, #tpu.memory_space<hbm>> -> memref<800xi32, #tpu.memory_space<hbm>>
      tpu.enqueue_dma source(%dma_start3A_96 : memref<800xi32, #tpu.memory_space<hbm>>) target(%arg6 : memref<800xi32, #tpu.memory_space<vmem>>) target_semaphore(%run_scoped3A_90 : memref<!tpu.dma_semaphore, #tpu.memory_space<semaphore_mem>>)
      %dma_wait3A_97 = arith.constant 0 : i32
      %dma_wait3A_98 = tpu.memref_slice %arg2[%add3A, %run_scoped3A, %dma_wait3A_97] : memref<32x32x800xi32, #tpu.memory_space<hbm>> -> memref<1x1x800xi32, #tpu.memory_space<hbm>>
      %dma_wait3A_99 = tpu.memref_squeeze %dma_wait3A_98 : memref<1x1x800xi32, #tpu.memory_space<hbm>> -> memref<800xi32, #tpu.memory_space<hbm>>
      %dma_wait3A_100 = arith.constant 0 : i32
      %dma_wait3A_101 = tpu.memref_slice %arg2[%add3A, %run_scoped3A, %dma_wait3A_100] : memref<32x32x800xi32, #tpu.memory_space<hbm>> -> memref<1x1x800xi32, #tpu.memory_space<hbm>>
      %dma_wait3A_102 = tpu.memref_squeeze %dma_wait3A_101 : memref<1x1x800xi32, #tpu.memory_space<hbm>> -> memref<800xi32, #tpu.memory_space<hbm>>
      tpu.wait_dma2 semaphore(%run_scoped3A_90 : memref<!tpu.dma_semaphore, #tpu.memory_space<semaphore_mem>>) src(%dma_wait3A_102 : memref<800xi32, #tpu.memory_space<hbm>>) dst(%arg6 : memref<800xi32, #tpu.memory_space<vmem>>)
      tpu.yield
    }) : () -> ()
    %dma_start3A = arith.constant 0 : i32
    %dma_start3A_5 = arith.constant 0 : i32
    %dma_start3A_6 = tpu.memref_slice %arg3[%dma_start3A, %dma_start3A_5] : memref<1000000x32xf32, #tpu.memory_space<hbm>> -> memref<1000000x32xf32, #tpu.memory_space<hbm>>
    tpu.enqueue_indirect_dma source(%dma_start3A_6 : memref<1000000x32xf32, #tpu.memory_space<hbm>>) target(%arg8 : memref<800x32xf32, #tpu.memory_space<vmem>>) offsets(%arg6 : memref<800xi32, #tpu.memory_space<vmem>>) semaphore(%arg13 : memref<!tpu.dma_semaphore, #tpu.memory_space<semaphore_mem>>)
    %dma_start3A_7 = arith.constant 1 : i32
    %dma_start3A_8 = arith.constant 0 : i32
    %dma_start3A_9 = tpu.memref_slice %arg2[%add3A, %dma_start3A_7, %dma_start3A_8] : memref<32x32x800xi32, #tpu.memory_space<hbm>> -> memref<1x1x800xi32, #tpu.memory_space<hbm>>
    %dma_start3A_10 = tpu.memref_squeeze %dma_start3A_9 : memref<1x1x800xi32, #tpu.memory_space<hbm>> -> memref<800xi32, #tpu.memory_space<hbm>>
    %dma_start3A_11 = arith.constant 0 : i32
    %dma_start3A_12 = tpu.memref_slice %arg2[%add3A, %dma_start3A_7, %dma_start3A_11] : memref<32x32x800xi32, #tpu.memory_space<hbm>> -> memref<1x1x800xi32, #tpu.memory_space<hbm>>
    %dma_start3A_13 = tpu.memref_squeeze %dma_start3A_12 : memref<1x1x800xi32, #tpu.memory_space<hbm>> -> memref<800xi32, #tpu.memory_space<hbm>>
    tpu.enqueue_dma source(%dma_start3A_13 : memref<800xi32, #tpu.memory_space<hbm>>) target(%arg7 : memref<800xi32, #tpu.memory_space<vmem>>) target_semaphore(%arg12 : memref<!tpu.dma_semaphore, #tpu.memory_space<semaphore_mem>>)
    %scan3A = arith.constant 0 : i32
    %scan3A_14 = arith.constant 0 : i32
    %scan3A_15 = arith.constant 16 : i32
    %scan3A_16 = arith.addi %scan3A_14, %scan3A_15 : i32
    %scan3A_17 = arith.constant 1 : i32
    scf.for %scan3A_90 = %scan3A_14 to %scan3A_16 step %scan3A_17  : i32 {
      %mul3A_91 = arith.constant 2 : i32
      %mul3A_92 = arith.muli %mul3A_91, %scan3A_90 : i32
      %add3A_93 = arith.constant 0 : i32
      %add3A_94 = arith.addi %mul3A_92, %add3A_93 : i32
      %ge3A = arith.constant 1 : i32
      %ge3A_95 = arith.cmpi sge, %add3A_94, %ge3A : i32
      %convert_element_type3A = arith.extui %ge3A_95 : i1 to i32
      %cond3A = arith.constant 0 : i32
      %cond3A_96 = arith.cmpi ne, %convert_element_type3A, %cond3A : i32
      scf.if %cond3A_96 {
        %sub3A = arith.constant 1 : i32
        %sub3A_296 = arith.subi %add3A_94, %sub3A : i32
        %mul3A_297 = arith.constant 4 : i32
        %mul3A_298 = arith.muli %sub3A_296, %mul3A_297 : i32
        %add3A_299 = arith.addi %mul3A_4, %mul3A_298 : i32
        %add3A_300 = arith.constant 0 : i32
        %add3A_301 = arith.addi %add3A_299, %add3A_300 : i32
        %dma_wait3A_302 = arith.constant 0 : i32
        %dma_wait3A_303 = arith.constant 0 : i32
        %dma_wait3A_304 = tpu.memref_slice %arg9[%dma_wait3A_302, %dma_wait3A_303] : memref<800x32xf32, #tpu.memory_space<vmem>> -> memref<200x32xf32, #tpu.memory_space<vmem>>
        %dma_wait3A_305 = arith.constant 0 : i32
        %dma_wait3A_306 = arith.constant 0 : i32
        %dma_wait3A_307 = tpu.memref_slice %arg5[%add3A_301, %dma_wait3A_305, %dma_wait3A_306] : memref<4096x200x32xf32, #tpu.memory_space<hbm>> -> memref<1x200x32xf32, #tpu.memory_space<hbm>>
        %dma_wait3A_308 = tpu.memref_squeeze %dma_wait3A_307 : memref<1x200x32xf32, #tpu.memory_space<hbm>> -> memref<200x32xf32, #tpu.memory_space<hbm>>
        %dma_wait3A_309 = arith.constant 0 : i32
        %dma_wait3A_310 = arith.constant 0 : i32
        %dma_wait3A_311 = tpu.memref_slice %arg5[%add3A_301, %dma_wait3A_309, %dma_wait3A_310] : memref<4096x200x32xf32, #tpu.memory_space<hbm>> -> memref<1x200x32xf32, #tpu.memory_space<hbm>>
        %dma_wait3A_312 = tpu.memref_squeeze %dma_wait3A_311 : memref<1x200x32xf32, #tpu.memory_space<hbm>> -> memref<200x32xf32, #tpu.memory_space<hbm>>
        %dma_wait3A_313 = arith.constant 0 : i32
        %dma_wait3A_314 = arith.constant 0 : i32
        %dma_wait3A_315 = tpu.memref_slice %arg9[%dma_wait3A_313, %dma_wait3A_314] : memref<800x32xf32, #tpu.memory_space<vmem>> -> memref<200x32xf32, #tpu.memory_space<vmem>>
        tpu.wait_dma2 semaphore(%arg16 : memref<!tpu.dma_semaphore, #tpu.memory_space<semaphore_mem>>) src(%dma_wait3A_315 : memref<200x32xf32, #tpu.memory_space<vmem>>) dst(%dma_wait3A_312 : memref<200x32xf32, #tpu.memory_space<hbm>>)
        %sub3A_316 = arith.constant 1 : i32
        %sub3A_317 = arith.subi %add3A_94, %sub3A_316 : i32
        %mul3A_318 = arith.constant 4 : i32
        %mul3A_319 = arith.muli %sub3A_317, %mul3A_318 : i32
        %add3A_320 = arith.addi %mul3A_4, %mul3A_319 : i32
        %add3A_321 = arith.constant 1 : i32
        %add3A_322 = arith.addi %add3A_320, %add3A_321 : i32
        %dma_wait3A_323 = arith.constant 200 : i32
        %dma_wait3A_324 = arith.constant 0 : i32
        %dma_wait3A_325 = tpu.memref_slice %arg9[%dma_wait3A_323, %dma_wait3A_324] : memref<800x32xf32, #tpu.memory_space<vmem>> -> memref<200x32xf32, #tpu.memory_space<vmem>>
        %dma_wait3A_326 = arith.constant 0 : i32
        %dma_wait3A_327 = arith.constant 0 : i32
        %dma_wait3A_328 = tpu.memref_slice %arg5[%add3A_322, %dma_wait3A_326, %dma_wait3A_327] : memref<4096x200x32xf32, #tpu.memory_space<hbm>> -> memref<1x200x32xf32, #tpu.memory_space<hbm>>
        %dma_wait3A_329 = tpu.memref_squeeze %dma_wait3A_328 : memref<1x200x32xf32, #tpu.memory_space<hbm>> -> memref<200x32xf32, #tpu.memory_space<hbm>>
        %dma_wait3A_330 = arith.constant 0 : i32
        %dma_wait3A_331 = arith.constant 0 : i32
        %dma_wait3A_332 = tpu.memref_slice %arg5[%add3A_322, %dma_wait3A_330, %dma_wait3A_331] : memref<4096x200x32xf32, #tpu.memory_space<hbm>> -> memref<1x200x32xf32, #tpu.memory_space<hbm>>
        %dma_wait3A_333 = tpu.memref_squeeze %dma_wait3A_332 : memref<1x200x32xf32, #tpu.memory_space<hbm>> -> memref<200x32xf32, #tpu.memory_space<hbm>>
        %dma_wait3A_334 = arith.constant 200 : i32
        %dma_wait3A_335 = arith.constant 0 : i32
        %dma_wait3A_336 = tpu.memref_slice %arg9[%dma_wait3A_334, %dma_wait3A_335] : memref<800x32xf32, #tpu.memory_space<vmem>> -> memref<200x32xf32, #tpu.memory_space<vmem>>
        tpu.wait_dma2 semaphore(%arg16 : memref<!tpu.dma_semaphore, #tpu.memory_space<semaphore_mem>>) src(%dma_wait3A_336 : memref<200x32xf32, #tpu.memory_space<vmem>>) dst(%dma_wait3A_333 : memref<200x32xf32, #tpu.memory_space<hbm>>)
        %sub3A_337 = arith.constant 1 : i32
        %sub3A_338 = arith.subi %add3A_94, %sub3A_337 : i32
        %mul3A_339 = arith.constant 4 : i32
        %mul3A_340 = arith.muli %sub3A_338, %mul3A_339 : i32
        %add3A_341 = arith.addi %mul3A_4, %mul3A_340 : i32
        %add3A_342 = arith.constant 2 : i32
        %add3A_343 = arith.addi %add3A_341, %add3A_342 : i32
        %dma_wait3A_344 = arith.constant 400 : i32
        %dma_wait3A_345 = arith.constant 0 : i32
        %dma_wait3A_346 = tpu.memref_slice %arg9[%dma_wait3A_344, %dma_wait3A_345] : memref<800x32xf32, #tpu.memory_space<vmem>> -> memref<200x32xf32, #tpu.memory_space<vmem>>
        %dma_wait3A_347 = arith.constant 0 : i32
        %dma_wait3A_348 = arith.constant 0 : i32
        %dma_wait3A_349 = tpu.memref_slice %arg5[%add3A_343, %dma_wait3A_347, %dma_wait3A_348] : memref<4096x200x32xf32, #tpu.memory_space<hbm>> -> memref<1x200x32xf32, #tpu.memory_space<hbm>>
        %dma_wait3A_350 = tpu.memref_squeeze %dma_wait3A_349 : memref<1x200x32xf32, #tpu.memory_space<hbm>> -> memref<200x32xf32, #tpu.memory_space<hbm>>
        %dma_wait3A_351 = arith.constant 0 : i32
        %dma_wait3A_352 = arith.constant 0 : i32
        %dma_wait3A_353 = tpu.memref_slice %arg5[%add3A_343, %dma_wait3A_351, %dma_wait3A_352] : memref<4096x200x32xf32, #tpu.memory_space<hbm>> -> memref<1x200x32xf32, #tpu.memory_space<hbm>>
        %dma_wait3A_354 = tpu.memref_squeeze %dma_wait3A_353 : memref<1x200x32xf32, #tpu.memory_space<hbm>> -> memref<200x32xf32, #tpu.memory_space<hbm>>
        %dma_wait3A_355 = arith.constant 400 : i32
        %dma_wait3A_356 = arith.constant 0 : i32
        %dma_wait3A_357 = tpu.memref_slice %arg9[%dma_wait3A_355, %dma_wait3A_356] : memref<800x32xf32, #tpu.memory_space<vmem>> -> memref<200x32xf32, #tpu.memory_space<vmem>>
        tpu.wait_dma2 semaphore(%arg16 : memref<!tpu.dma_semaphore, #tpu.memory_space<semaphore_mem>>) src(%dma_wait3A_357 : memref<200x32xf32, #tpu.memory_space<vmem>>) dst(%dma_wait3A_354 : memref<200x32xf32, #tpu.memory_space<hbm>>)
        %sub3A_358 = arith.constant 1 : i32
        %sub3A_359 = arith.subi %add3A_94, %sub3A_358 : i32
        %mul3A_360 = arith.constant 4 : i32
        %mul3A_361 = arith.muli %sub3A_359, %mul3A_360 : i32
        %add3A_362 = arith.addi %mul3A_4, %mul3A_361 : i32
        %add3A_363 = arith.constant 3 : i32
        %add3A_364 = arith.addi %add3A_362, %add3A_363 : i32
        %dma_wait3A_365 = arith.constant 600 : i32
        %dma_wait3A_366 = arith.constant 0 : i32
        %dma_wait3A_367 = tpu.memref_slice %arg9[%dma_wait3A_365, %dma_wait3A_366] : memref<800x32xf32, #tpu.memory_space<vmem>> -> memref<200x32xf32, #tpu.memory_space<vmem>>
        %dma_wait3A_368 = arith.constant 0 : i32
        %dma_wait3A_369 = arith.constant 0 : i32
        %dma_wait3A_370 = tpu.memref_slice %arg5[%add3A_364, %dma_wait3A_368, %dma_wait3A_369] : memref<4096x200x32xf32, #tpu.memory_space<hbm>> -> memref<1x200x32xf32, #tpu.memory_space<hbm>>
        %dma_wait3A_371 = tpu.memref_squeeze %dma_wait3A_370 : memref<1x200x32xf32, #tpu.memory_space<hbm>> -> memref<200x32xf32, #tpu.memory_space<hbm>>
        %dma_wait3A_372 = arith.constant 0 : i32
        %dma_wait3A_373 = arith.constant 0 : i32
        %dma_wait3A_374 = tpu.memref_slice %arg5[%add3A_364, %dma_wait3A_372, %dma_wait3A_373] : memref<4096x200x32xf32, #tpu.memory_space<hbm>> -> memref<1x200x32xf32, #tpu.memory_space<hbm>>
        %dma_wait3A_375 = tpu.memref_squeeze %dma_wait3A_374 : memref<1x200x32xf32, #tpu.memory_space<hbm>> -> memref<200x32xf32, #tpu.memory_space<hbm>>
        %dma_wait3A_376 = arith.constant 600 : i32
        %dma_wait3A_377 = arith.constant 0 : i32
        %dma_wait3A_378 = tpu.memref_slice %arg9[%dma_wait3A_376, %dma_wait3A_377] : memref<800x32xf32, #tpu.memory_space<vmem>> -> memref<200x32xf32, #tpu.memory_space<vmem>>
        tpu.wait_dma2 semaphore(%arg16 : memref<!tpu.dma_semaphore, #tpu.memory_space<semaphore_mem>>) src(%dma_wait3A_378 : memref<200x32xf32, #tpu.memory_space<vmem>>) dst(%dma_wait3A_375 : memref<200x32xf32, #tpu.memory_space<hbm>>)
      } else {
      }
      %add3A_97 = arith.constant 1 : i32
      %add3A_98 = arith.addi %add3A_94, %add3A_97 : i32
      %lt3A = arith.constant 32 : i32
      %lt3A_99 = arith.cmpi slt, %add3A_98, %lt3A : i32
      %convert_element_type3A_100 = arith.extui %lt3A_99 : i1 to i32
      %cond3A_101 = arith.constant 0 : i32
      %cond3A_102 = arith.cmpi ne, %convert_element_type3A_100, %cond3A_101 : i32
      scf.if %cond3A_102 {
        %add3A_296 = arith.constant 1 : i32
        %add3A_297 = arith.addi %add3A_94, %add3A_296 : i32
        %dma_wait3A_298 = arith.constant 0 : i32
        %dma_wait3A_299 = tpu.memref_slice %arg2[%add3A, %add3A_297, %dma_wait3A_298] : memref<32x32x800xi32, #tpu.memory_space<hbm>> -> memref<1x1x800xi32, #tpu.memory_space<hbm>>
        %dma_wait3A_300 = tpu.memref_squeeze %dma_wait3A_299 : memref<1x1x800xi32, #tpu.memory_space<hbm>> -> memref<800xi32, #tpu.memory_space<hbm>>
        %dma_wait3A_301 = arith.constant 0 : i32
        %dma_wait3A_302 = tpu.memref_slice %arg2[%add3A, %add3A_297, %dma_wait3A_301] : memref<32x32x800xi32, #tpu.memory_space<hbm>> -> memref<1x1x800xi32, #tpu.memory_space<hbm>>
        %dma_wait3A_303 = tpu.memref_squeeze %dma_wait3A_302 : memref<1x1x800xi32, #tpu.memory_space<hbm>> -> memref<800xi32, #tpu.memory_space<hbm>>
        tpu.wait_dma2 semaphore(%arg12 : memref<!tpu.dma_semaphore, #tpu.memory_space<semaphore_mem>>) src(%dma_wait3A_303 : memref<800xi32, #tpu.memory_space<hbm>>) dst(%arg7 : memref<800xi32, #tpu.memory_space<vmem>>)
        %dma_start3A_304 = arith.constant 0 : i32
        %dma_start3A_305 = arith.constant 0 : i32
        %dma_start3A_306 = tpu.memref_slice %arg3[%dma_start3A_304, %dma_start3A_305] : memref<1000000x32xf32, #tpu.memory_space<hbm>> -> memref<1000000x32xf32, #tpu.memory_space<hbm>>
        tpu.enqueue_indirect_dma source(%dma_start3A_306 : memref<1000000x32xf32, #tpu.memory_space<hbm>>) target(%arg9 : memref<800x32xf32, #tpu.memory_space<vmem>>) offsets(%arg7 : memref<800xi32, #tpu.memory_space<vmem>>) semaphore(%arg14 : memref<!tpu.dma_semaphore, #tpu.memory_space<semaphore_mem>>)
      } else {
      }
      %dma_wait3A_103 = arith.constant 0 : i32
      %dma_wait3A_104 = arith.constant 0 : i32
      %dma_wait3A_105 = tpu.memref_slice %arg3[%dma_wait3A_103, %dma_wait3A_104] : memref<1000000x32xf32, #tpu.memory_space<hbm>> -> memref<1000000x32xf32, #tpu.memory_space<hbm>>
      tpu.wait_indirect_dma semaphore(%arg13 : memref<!tpu.dma_semaphore, #tpu.memory_space<semaphore_mem>>) src(%dma_wait3A_105 : memref<1000000x32xf32, #tpu.memory_space<hbm>>) dst(%arg8 : memref<800x32xf32, #tpu.memory_space<vmem>>)
      %add3A_106 = arith.constant 2 : i32
      %add3A_107 = arith.addi %add3A_94, %add3A_106 : i32
      %lt3A_108 = arith.constant 32 : i32
      %lt3A_109 = arith.cmpi slt, %add3A_107, %lt3A_108 : i32
      %convert_element_type3A_110 = arith.extui %lt3A_109 : i1 to i32
      %cond3A_111 = arith.constant 0 : i32
      %cond3A_112 = arith.cmpi ne, %convert_element_type3A_110, %cond3A_111 : i32
      scf.if %cond3A_112 {
        %add3A_296 = arith.constant 2 : i32
        %add3A_297 = arith.addi %add3A_94, %add3A_296 : i32
        %dma_start3A_298 = arith.constant 0 : i32
        %dma_start3A_299 = tpu.memref_slice %arg2[%add3A, %add3A_297, %dma_start3A_298] : memref<32x32x800xi32, #tpu.memory_space<hbm>> -> memref<1x1x800xi32, #tpu.memory_space<hbm>>
        %dma_start3A_300 = tpu.memref_squeeze %dma_start3A_299 : memref<1x1x800xi32, #tpu.memory_space<hbm>> -> memref<800xi32, #tpu.memory_space<hbm>>
        %dma_start3A_301 = arith.constant 0 : i32
        %dma_start3A_302 = tpu.memref_slice %arg2[%add3A, %add3A_297, %dma_start3A_301] : memref<32x32x800xi32, #tpu.memory_space<hbm>> -> memref<1x1x800xi32, #tpu.memory_space<hbm>>
        %dma_start3A_303 = tpu.memref_squeeze %dma_start3A_302 : memref<1x1x800xi32, #tpu.memory_space<hbm>> -> memref<800xi32, #tpu.memory_space<hbm>>
        tpu.enqueue_dma source(%dma_start3A_303 : memref<800xi32, #tpu.memory_space<hbm>>) target(%arg6 : memref<800xi32, #tpu.memory_space<vmem>>) target_semaphore(%arg11 : memref<!tpu.dma_semaphore, #tpu.memory_space<semaphore_mem>>)
      } else {
      }
      %parallel_loop3A = arith.constant 0 : i32
      %parallel_loop3A_113 = arith.constant 200 : i32
      %parallel_loop3A_114 = arith.constant 1 : i32
      scf.for %parallel_loop3A_296 = %parallel_loop3A to %parallel_loop3A_113 step %parallel_loop3A_114  : i32 {
        %parallel_loop3A_297 = arith.index_cast %parallel_loop3A_296 : i32 to index
        %parallel_loop3A_298 = arith.constant 0 : index
        %parallel_loop3A_299 = tpu.vector_load %arg10[%parallel_loop3A_297, %parallel_loop3A_298] {strides = array<i32>} : memref<200x32xf32, #tpu.memory_space<vmem>>, vector<1x16xf32>,
        %parallel_loop3A_300 = vector.shape_cast %parallel_loop3A_299 : vector<1x16xf32> to vector<16xf32>
        %parallel_loop3A_301 = arith.index_cast %parallel_loop3A_296 : i32 to index
        %parallel_loop3A_302 = arith.constant 16 : index
        %parallel_loop3A_303 = tpu.vector_load %arg10[%parallel_loop3A_301, %parallel_loop3A_302] {strides = array<i32>} : memref<200x32xf32, #tpu.memory_space<vmem>>, vector<1x16xf32>,
        %parallel_loop3A_304 = vector.shape_cast %parallel_loop3A_303 : vector<1x16xf32> to vector<16xf32>
        %parallel_loop3A_305 = arith.constant 0 : i32
        %parallel_loop3A_306 = arith.addi %parallel_loop3A_305, %parallel_loop3A_296 : i32
        %parallel_loop3A_307 = arith.index_cast %parallel_loop3A_306 : i32 to index
        %parallel_loop3A_308 = arith.constant 0 : index
        %parallel_loop3A_309 = tpu.vector_load %arg8[%parallel_loop3A_307, %parallel_loop3A_308] {strides = array<i32>} : memref<800x32xf32, #tpu.memory_space<vmem>>, vector<1x16xf32>,
        %parallel_loop3A_310 = vector.shape_cast %parallel_loop3A_309 : vector<1x16xf32> to vector<16xf32>
        %parallel_loop3A_311 = arith.addf %parallel_loop3A_310, %parallel_loop3A_300 : vector<16xf32>
        %parallel_loop3A_312 = arith.index_cast %parallel_loop3A_306 : i32 to index
        %parallel_loop3A_313 = arith.constant 0 : index
        %parallel_loop3A_314 = tpu.vector_load %arg8[%parallel_loop3A_312, %parallel_loop3A_313] {strides = array<i32>} : memref<800x32xf32, #tpu.memory_space<vmem>>, vector<1x16xf32>,
        %parallel_loop3A_315 = vector.shape_cast %parallel_loop3A_314 : vector<1x16xf32> to vector<16xf32>
        %parallel_loop3A_316 = vector.shape_cast %parallel_loop3A_311 : vector<16xf32> to vector<1x16xf32>
        tpu.vector_store %arg8[%parallel_loop3A_312, %parallel_loop3A_313], %parallel_loop3A_316 {strides = array<i32>} : memref<800x32xf32, #tpu.memory_space<vmem>>, vector<1x16xf32>,
        %parallel_loop3A_317 = arith.index_cast %parallel_loop3A_306 : i32 to index
        %parallel_loop3A_318 = arith.constant 16 : index
        %parallel_loop3A_319 = tpu.vector_load %arg8[%parallel_loop3A_317, %parallel_loop3A_318] {strides = array<i32>} : memref<800x32xf32, #tpu.memory_space<vmem>>, vector<1x16xf32>,
        %parallel_loop3A_320 = vector.shape_cast %parallel_loop3A_319 : vector<1x16xf32> to vector<16xf32>
        %parallel_loop3A_321 = arith.addf %parallel_loop3A_320, %parallel_loop3A_304 : vector<16xf32>
        %parallel_loop3A_322 = arith.index_cast %parallel_loop3A_306 : i32 to index
        %parallel_loop3A_323 = arith.constant 16 : index
        %parallel_loop3A_324 = tpu.vector_load %arg8[%parallel_loop3A_322, %parallel_loop3A_323] {strides = array<i32>} : memref<800x32xf32, #tpu.memory_space<vmem>>, vector<1x16xf32>,
        %parallel_loop3A_325 = vector.shape_cast %parallel_loop3A_324 : vector<1x16xf32> to vector<16xf32>
        %parallel_loop3A_326 = vector.shape_cast %parallel_loop3A_321 : vector<16xf32> to vector<1x16xf32>
        tpu.vector_store %arg8[%parallel_loop3A_322, %parallel_loop3A_323], %parallel_loop3A_326 {strides = array<i32>} : memref<800x32xf32, #tpu.memory_space<vmem>>, vector<1x16xf32>,
        %parallel_loop3A_327 = arith.constant 200 : i32
        %parallel_loop3A_328 = arith.addi %parallel_loop3A_327, %parallel_loop3A_296 : i32
        %parallel_loop3A_329 = arith.index_cast %parallel_loop3A_328 : i32 to index
        %parallel_loop3A_330 = arith.constant 0 : index
        %parallel_loop3A_331 = tpu.vector_load %arg8[%parallel_loop3A_329, %parallel_loop3A_330] {strides = array<i32>} : memref<800x32xf32, #tpu.memory_space<vmem>>, vector<1x16xf32>,
        %parallel_loop3A_332 = vector.shape_cast %parallel_loop3A_331 : vector<1x16xf32> to vector<16xf32>
        %parallel_loop3A_333 = arith.addf %parallel_loop3A_332, %parallel_loop3A_300 : vector<16xf32>
        %parallel_loop3A_334 = arith.index_cast %parallel_loop3A_328 : i32 to index
        %parallel_loop3A_335 = arith.constant 0 : index
        %parallel_loop3A_336 = tpu.vector_load %arg8[%parallel_loop3A_334, %parallel_loop3A_335] {strides = array<i32>} : memref<800x32xf32, #tpu.memory_space<vmem>>, vector<1x16xf32>,
        %parallel_loop3A_337 = vector.shape_cast %parallel_loop3A_336 : vector<1x16xf32> to vector<16xf32>
        %parallel_loop3A_338 = vector.shape_cast %parallel_loop3A_333 : vector<16xf32> to vector<1x16xf32>
        tpu.vector_store %arg8[%parallel_loop3A_334, %parallel_loop3A_335], %parallel_loop3A_338 {strides = array<i32>} : memref<800x32xf32, #tpu.memory_space<vmem>>, vector<1x16xf32>,
        %parallel_loop3A_339 = arith.index_cast %parallel_loop3A_328 : i32 to index
        %parallel_loop3A_340 = arith.constant 16 : index
        %parallel_loop3A_341 = tpu.vector_load %arg8[%parallel_loop3A_339, %parallel_loop3A_340] {strides = array<i32>} : memref<800x32xf32, #tpu.memory_space<vmem>>, vector<1x16xf32>,
        %parallel_loop3A_342 = vector.shape_cast %parallel_loop3A_341 : vector<1x16xf32> to vector<16xf32>
        %parallel_loop3A_343 = arith.addf %parallel_loop3A_342, %parallel_loop3A_304 : vector<16xf32>
        %parallel_loop3A_344 = arith.index_cast %parallel_loop3A_328 : i32 to index
        %parallel_loop3A_345 = arith.constant 16 : index
        %parallel_loop3A_346 = tpu.vector_load %arg8[%parallel_loop3A_344, %parallel_loop3A_345] {strides = array<i32>} : memref<800x32xf32, #tpu.memory_space<vmem>>, vector<1x16xf32>,
        %parallel_loop3A_347 = vector.shape_cast %parallel_loop3A_346 : vector<1x16xf32> to vector<16xf32>
        %parallel_loop3A_348 = vector.shape_cast %parallel_loop3A_343 : vector<16xf32> to vector<1x16xf32>
        tpu.vector_store %arg8[%parallel_loop3A_344, %parallel_loop3A_345], %parallel_loop3A_348 {strides = array<i32>} : memref<800x32xf32, #tpu.memory_space<vmem>>, vector<1x16xf32>,
        %parallel_loop3A_349 = arith.constant 400 : i32
        %parallel_loop3A_350 = arith.addi %parallel_loop3A_349, %parallel_loop3A_296 : i32
        %parallel_loop3A_351 = arith.index_cast %parallel_loop3A_350 : i32 to index
        %parallel_loop3A_352 = arith.constant 0 : index
        %parallel_loop3A_353 = tpu.vector_load %arg8[%parallel_loop3A_351, %parallel_loop3A_352] {strides = array<i32>} : memref<800x32xf32, #tpu.memory_space<vmem>>, vector<1x16xf32>,
        %parallel_loop3A_354 = vector.shape_cast %parallel_loop3A_353 : vector<1x16xf32> to vector<16xf32>
        %parallel_loop3A_355 = arith.addf %parallel_loop3A_354, %parallel_loop3A_300 : vector<16xf32>
        %parallel_loop3A_356 = arith.index_cast %parallel_loop3A_350 : i32 to index
        %parallel_loop3A_357 = arith.constant 0 : index
        %parallel_loop3A_358 = tpu.vector_load %arg8[%parallel_loop3A_356, %parallel_loop3A_357] {strides = array<i32>} : memref<800x32xf32, #tpu.memory_space<vmem>>, vector<1x16xf32>,
        %parallel_loop3A_359 = vector.shape_cast %parallel_loop3A_358 : vector<1x16xf32> to vector<16xf32>
        %parallel_loop3A_360 = vector.shape_cast %parallel_loop3A_355 : vector<16xf32> to vector<1x16xf32>
        tpu.vector_store %arg8[%parallel_loop3A_356, %parallel_loop3A_357], %parallel_loop3A_360 {strides = array<i32>} : memref<800x32xf32, #tpu.memory_space<vmem>>, vector<1x16xf32>,
        %parallel_loop3A_361 = arith.index_cast %parallel_loop3A_350 : i32 to index
        %parallel_loop3A_362 = arith.constant 16 : index
        %parallel_loop3A_363 = tpu.vector_load %arg8[%parallel_loop3A_361, %parallel_loop3A_362] {strides = array<i32>} : memref<800x32xf32, #tpu.memory_space<vmem>>, vector<1x16xf32>,
        %parallel_loop3A_364 = vector.shape_cast %parallel_loop3A_363 : vector<1x16xf32> to vector<16xf32>
        %parallel_loop3A_365 = arith.addf %parallel_loop3A_364, %parallel_loop3A_304 : vector<16xf32>
        %parallel_loop3A_366 = arith.index_cast %parallel_loop3A_350 : i32 to index
        %parallel_loop3A_367 = arith.constant 16 : index
        %parallel_loop3A_368 = tpu.vector_load %arg8[%parallel_loop3A_366, %parallel_loop3A_367] {strides = array<i32>} : memref<800x32xf32, #tpu.memory_space<vmem>>, vector<1x16xf32>,
        %parallel_loop3A_369 = vector.shape_cast %parallel_loop3A_368 : vector<1x16xf32> to vector<16xf32>
        %parallel_loop3A_370 = vector.shape_cast %parallel_loop3A_365 : vector<16xf32> to vector<1x16xf32>
        tpu.vector_store %arg8[%parallel_loop3A_366, %parallel_loop3A_367], %parallel_loop3A_370 {strides = array<i32>} : memref<800x32xf32, #tpu.memory_space<vmem>>, vector<1x16xf32>,
        %parallel_loop3A_371 = arith.constant 600 : i32
        %parallel_loop3A_372 = arith.addi %parallel_loop3A_371, %parallel_loop3A_296 : i32
        %parallel_loop3A_373 = arith.index_cast %parallel_loop3A_372 : i32 to index
        %parallel_loop3A_374 = arith.constant 0 : index
        %parallel_loop3A_375 = tpu.vector_load %arg8[%parallel_loop3A_373, %parallel_loop3A_374] {strides = array<i32>} : memref<800x32xf32, #tpu.memory_space<vmem>>, vector<1x16xf32>,
        %parallel_loop3A_376 = vector.shape_cast %parallel_loop3A_375 : vector<1x16xf32> to vector<16xf32>
        %parallel_loop3A_377 = arith.addf %parallel_loop3A_376, %parallel_loop3A_300 : vector<16xf32>
        %parallel_loop3A_378 = arith.index_cast %parallel_loop3A_372 : i32 to index
        %parallel_loop3A_379 = arith.constant 0 : index
        %parallel_loop3A_380 = tpu.vector_load %arg8[%parallel_loop3A_378, %parallel_loop3A_379] {strides = array<i32>} : memref<800x32xf32, #tpu.memory_space<vmem>>, vector<1x16xf32>,
        %parallel_loop3A_381 = vector.shape_cast %parallel_loop3A_380 : vector<1x16xf32> to vector<16xf32>
        %parallel_loop3A_382 = vector.shape_cast %parallel_loop3A_377 : vector<16xf32> to vector<1x16xf32>
        tpu.vector_store %arg8[%parallel_loop3A_378, %parallel_loop3A_379], %parallel_loop3A_382 {strides = array<i32>} : memref<800x32xf32, #tpu.memory_space<vmem>>, vector<1x16xf32>,
        %parallel_loop3A_383 = arith.index_cast %parallel_loop3A_372 : i32 to index
        %parallel_loop3A_384 = arith.constant 16 : index
        %parallel_loop3A_385 = tpu.vector_load %arg8[%parallel_loop3A_383, %parallel_loop3A_384] {strides = array<i32>} : memref<800x32xf32, #tpu.memory_space<vmem>>, vector<1x16xf32>,
        %parallel_loop3A_386 = vector.shape_cast %parallel_loop3A_385 : vector<1x16xf32> to vector<16xf32>
        %parallel_loop3A_387 = arith.addf %parallel_loop3A_386, %parallel_loop3A_304 : vector<16xf32>
        %parallel_loop3A_388 = arith.index_cast %parallel_loop3A_372 : i32 to index
        %parallel_loop3A_389 = arith.constant 16 : index
        %parallel_loop3A_390 = tpu.vector_load %arg8[%parallel_loop3A_388, %parallel_loop3A_389] {strides = array<i32>} : memref<800x32xf32, #tpu.memory_space<vmem>>, vector<1x16xf32>,
        %parallel_loop3A_391 = vector.shape_cast %parallel_loop3A_390 : vector<1x16xf32> to vector<16xf32>
        %parallel_loop3A_392 = vector.shape_cast %parallel_loop3A_387 : vector<16xf32> to vector<1x16xf32>
        tpu.vector_store %arg8[%parallel_loop3A_388, %parallel_loop3A_389], %parallel_loop3A_392 {strides = array<i32>} : memref<800x32xf32, #tpu.memory_space<vmem>>, vector<1x16xf32>,
      } {sc.loop_unroll_factor = 2 : i64, sc.parallel_access}
      %mul3A_115 = arith.constant 4 : i32
      %mul3A_116 = arith.muli %add3A_94, %mul3A_115 : i32
      %add3A_117 = arith.addi %mul3A_4, %mul3A_116 : i32
      %add3A_118 = arith.constant 0 : i32
      %add3A_119 = arith.addi %add3A_117, %add3A_118 : i32
      %dma_start3A_120 = arith.constant 0 : i32
      %dma_start3A_121 = arith.constant 0 : i32
      %dma_start3A_122 = tpu.memref_slice %arg8[%dma_start3A_120, %dma_start3A_121] : memref<800x32xf32, #tpu.memory_space<vmem>> -> memref<200x32xf32, #tpu.memory_space<vmem>>
      %dma_start3A_123 = arith.constant 0 : i32
      %dma_start3A_124 = arith.constant 0 : i32
      %dma_start3A_125 = tpu.memref_slice %arg5[%add3A_119, %dma_start3A_123, %dma_start3A_124] : memref<4096x200x32xf32, #tpu.memory_space<hbm>> -> memref<1x200x32xf32, #tpu.memory_space<hbm>>
      %dma_start3A_126 = tpu.memref_squeeze %dma_start3A_125 : memref<1x200x32xf32, #tpu.memory_space<hbm>> -> memref<200x32xf32, #tpu.memory_space<hbm>>
      %dma_start3A_127 = arith.constant 0 : i32
      %dma_start3A_128 = arith.constant 0 : i32
      %dma_start3A_129 = tpu.memref_slice %arg5[%add3A_119, %dma_start3A_127, %dma_start3A_128] : memref<4096x200x32xf32, #tpu.memory_space<hbm>> -> memref<1x200x32xf32, #tpu.memory_space<hbm>>
      %dma_start3A_130 = tpu.memref_squeeze %dma_start3A_129 : memref<1x200x32xf32, #tpu.memory_space<hbm>> -> memref<200x32xf32, #tpu.memory_space<hbm>>
      %dma_start3A_131 = arith.constant 0 : i32
      %dma_start3A_132 = arith.constant 0 : i32
      %dma_start3A_133 = tpu.memref_slice %arg8[%dma_start3A_131, %dma_start3A_132] : memref<800x32xf32, #tpu.memory_space<vmem>> -> memref<200x32xf32, #tpu.memory_space<vmem>>
      tpu.enqueue_dma source(%dma_start3A_133 : memref<200x32xf32, #tpu.memory_space<vmem>>) target(%dma_start3A_130 : memref<200x32xf32, #tpu.memory_space<hbm>>) target_semaphore(%arg15 : memref<!tpu.dma_semaphore, #tpu.memory_space<semaphore_mem>>)
      %mul3A_134 = arith.constant 4 : i32
      %mul3A_135 = arith.muli %add3A_94, %mul3A_134 : i32
      %add3A_136 = arith.addi %mul3A_4, %mul3A_135 : i32
      %add3A_137 = arith.constant 1 : i32
      %add3A_138 = arith.addi %add3A_136, %add3A_137 : i32
      %dma_start3A_139 = arith.constant 200 : i32
      %dma_start3A_140 = arith.constant 0 : i32
      %dma_start3A_141 = tpu.memref_slice %arg8[%dma_start3A_139, %dma_start3A_140] : memref<800x32xf32, #tpu.memory_space<vmem>> -> memref<200x32xf32, #tpu.memory_space<vmem>>
      %dma_start3A_142 = arith.constant 0 : i32
      %dma_start3A_143 = arith.constant 0 : i32
      %dma_start3A_144 = tpu.memref_slice %arg5[%add3A_138, %dma_start3A_142, %dma_start3A_143] : memref<4096x200x32xf32, #tpu.memory_space<hbm>> -> memref<1x200x32xf32, #tpu.memory_space<hbm>>
      %dma_start3A_145 = tpu.memref_squeeze %dma_start3A_144 : memref<1x200x32xf32, #tpu.memory_space<hbm>> -> memref<200x32xf32, #tpu.memory_space<hbm>>
      %dma_start3A_146 = arith.constant 0 : i32
      %dma_start3A_147 = arith.constant 0 : i32
      %dma_start3A_148 = tpu.memref_slice %arg5[%add3A_138, %dma_start3A_146, %dma_start3A_147] : memref<4096x200x32xf32, #tpu.memory_space<hbm>> -> memref<1x200x32xf32, #tpu.memory_space<hbm>>
      %dma_start3A_149 = tpu.memref_squeeze %dma_start3A_148 : memref<1x200x32xf32, #tpu.memory_space<hbm>> -> memref<200x32xf32, #tpu.memory_space<hbm>>
      %dma_start3A_150 = arith.constant 200 : i32
      %dma_start3A_151 = arith.constant 0 : i32
      %dma_start3A_152 = tpu.memref_slice %arg8[%dma_start3A_150, %dma_start3A_151] : memref<800x32xf32, #tpu.memory_space<vmem>> -> memref<200x32xf32, #tpu.memory_space<vmem>>
      tpu.enqueue_dma source(%dma_start3A_152 : memref<200x32xf32, #tpu.memory_space<vmem>>) target(%dma_start3A_149 : memref<200x32xf32, #tpu.memory_space<hbm>>) target_semaphore(%arg15 : memref<!tpu.dma_semaphore, #tpu.memory_space<semaphore_mem>>)
      %mul3A_153 = arith.constant 4 : i32
      %mul3A_154 = arith.muli %add3A_94, %mul3A_153 : i32
      %add3A_155 = arith.addi %mul3A_4, %mul3A_154 : i32
      %add3A_156 = arith.constant 2 : i32
      %add3A_157 = arith.addi %add3A_155, %add3A_156 : i32
      %dma_start3A_158 = arith.constant 400 : i32
      %dma_start3A_159 = arith.constant 0 : i32
      %dma_start3A_160 = tpu.memref_slice %arg8[%dma_start3A_158, %dma_start3A_159] : memref<800x32xf32, #tpu.memory_space<vmem>> -> memref<200x32xf32, #tpu.memory_space<vmem>>
      %dma_start3A_161 = arith.constant 0 : i32
      %dma_start3A_162 = arith.constant 0 : i32
      %dma_start3A_163 = tpu.memref_slice %arg5[%add3A_157, %dma_start3A_161, %dma_start3A_162] : memref<4096x200x32xf32, #tpu.memory_space<hbm>> -> memref<1x200x32xf32, #tpu.memory_space<hbm>>
      %dma_start3A_164 = tpu.memref_squeeze %dma_start3A_163 : memref<1x200x32xf32, #tpu.memory_space<hbm>> -> memref<200x32xf32, #tpu.memory_space<hbm>>
      %dma_start3A_165 = arith.constant 0 : i32
      %dma_start3A_166 = arith.constant 0 : i32
      %dma_start3A_167 = tpu.memref_slice %arg5[%add3A_157, %dma_start3A_165, %dma_start3A_166] : memref<4096x200x32xf32, #tpu.memory_space<hbm>> -> memref<1x200x32xf32, #tpu.memory_space<hbm>>
      %dma_start3A_168 = tpu.memref_squeeze %dma_start3A_167 : memref<1x200x32xf32, #tpu.memory_space<hbm>> -> memref<200x32xf32, #tpu.memory_space<hbm>>
      %dma_start3A_169 = arith.constant 400 : i32
      %dma_start3A_170 = arith.constant 0 : i32
      %dma_start3A_171 = tpu.memref_slice %arg8[%dma_start3A_169, %dma_start3A_170] : memref<800x32xf32, #tpu.memory_space<vmem>> -> memref<200x32xf32, #tpu.memory_space<vmem>>
      tpu.enqueue_dma source(%dma_start3A_171 : memref<200x32xf32, #tpu.memory_space<vmem>>) target(%dma_start3A_168 : memref<200x32xf32, #tpu.memory_space<hbm>>) target_semaphore(%arg15 : memref<!tpu.dma_semaphore, #tpu.memory_space<semaphore_mem>>)
      %mul3A_172 = arith.constant 4 : i32
      %mul3A_173 = arith.muli %add3A_94, %mul3A_172 : i32
      %add3A_174 = arith.addi %mul3A_4, %mul3A_173 : i32
      %add3A_175 = arith.constant 3 : i32
      %add3A_176 = arith.addi %add3A_174, %add3A_175 : i32
      %dma_start3A_177 = arith.constant 600 : i32
      %dma_start3A_178 = arith.constant 0 : i32
      %dma_start3A_179 = tpu.memref_slice %arg8[%dma_start3A_177, %dma_start3A_178] : memref<800x32xf32, #tpu.memory_space<vmem>> -> memref<200x32xf32, #tpu.memory_space<vmem>>
      %dma_start3A_180 = arith.constant 0 : i32
      %dma_start3A_181 = arith.constant 0 : i32
      %dma_start3A_182 = tpu.memref_slice %arg5[%add3A_176, %dma_start3A_180, %dma_start3A_181] : memref<4096x200x32xf32, #tpu.memory_space<hbm>> -> memref<1x200x32xf32, #tpu.memory_space<hbm>>
      %dma_start3A_183 = tpu.memref_squeeze %dma_start3A_182 : memref<1x200x32xf32, #tpu.memory_space<hbm>> -> memref<200x32xf32, #tpu.memory_space<hbm>>
      %dma_start3A_184 = arith.constant 0 : i32
      %dma_start3A_185 = arith.constant 0 : i32
      %dma_start3A_186 = tpu.memref_slice %arg5[%add3A_176, %dma_start3A_184, %dma_start3A_185] : memref<4096x200x32xf32, #tpu.memory_space<hbm>> -> memref<1x200x32xf32, #tpu.memory_space<hbm>>
      %dma_start3A_187 = tpu.memref_squeeze %dma_start3A_186 : memref<1x200x32xf32, #tpu.memory_space<hbm>> -> memref<200x32xf32, #tpu.memory_space<hbm>>
      %dma_start3A_188 = arith.constant 600 : i32
      %dma_start3A_189 = arith.constant 0 : i32
      %dma_start3A_190 = tpu.memref_slice %arg8[%dma_start3A_188, %dma_start3A_189] : memref<800x32xf32, #tpu.memory_space<vmem>> -> memref<200x32xf32, #tpu.memory_space<vmem>>
      tpu.enqueue_dma source(%dma_start3A_190 : memref<200x32xf32, #tpu.memory_space<vmem>>) target(%dma_start3A_187 : memref<200x32xf32, #tpu.memory_space<hbm>>) target_semaphore(%arg15 : memref<!tpu.dma_semaphore, #tpu.memory_space<semaphore_mem>>)
      %mul3A_191 = arith.constant 2 : i32
      %mul3A_192 = arith.muli %mul3A_191, %scan3A_90 : i32
      %add3A_193 = arith.constant 1 : i32
      %add3A_194 = arith.addi %mul3A_192, %add3A_193 : i32
      %ge3A_195 = arith.constant 1 : i32
      %ge3A_196 = arith.cmpi sge, %add3A_194, %ge3A_195 : i32
      %convert_element_type3A_197 = arith.extui %ge3A_196 : i1 to i32
      %cond3A_198 = arith.constant 0 : i32
      %cond3A_199 = arith.cmpi ne, %convert_element_type3A_197, %cond3A_198 : i32
      scf.if %cond3A_199 {
        %sub3A = arith.constant 1 : i32
        %sub3A_296 = arith.subi %add3A_194, %sub3A : i32
        %mul3A_297 = arith.constant 4 : i32
        %mul3A_298 = arith.muli %sub3A_296, %mul3A_297 : i32
        %add3A_299 = arith.addi %mul3A_4, %mul3A_298 : i32
        %add3A_300 = arith.constant 0 : i32
        %add3A_301 = arith.addi %add3A_299, %add3A_300 : i32
        %dma_wait3A_302 = arith.constant 0 : i32
        %dma_wait3A_303 = arith.constant 0 : i32
        %dma_wait3A_304 = tpu.memref_slice %arg8[%dma_wait3A_302, %dma_wait3A_303] : memref<800x32xf32, #tpu.memory_space<vmem>> -> memref<200x32xf32, #tpu.memory_space<vmem>>
        %dma_wait3A_305 = arith.constant 0 : i32
        %dma_wait3A_306 = arith.constant 0 : i32
        %dma_wait3A_307 = tpu.memref_slice %arg5[%add3A_301, %dma_wait3A_305, %dma_wait3A_306] : memref<4096x200x32xf32, #tpu.memory_space<hbm>> -> memref<1x200x32xf32, #tpu.memory_space<hbm>>
        %dma_wait3A_308 = tpu.memref_squeeze %dma_wait3A_307 : memref<1x200x32xf32, #tpu.memory_space<hbm>> -> memref<200x32xf32, #tpu.memory_space<hbm>>
        %dma_wait3A_309 = arith.constant 0 : i32
        %dma_wait3A_310 = arith.constant 0 : i32
        %dma_wait3A_311 = tpu.memref_slice %arg5[%add3A_301, %dma_wait3A_309, %dma_wait3A_310] : memref<4096x200x32xf32, #tpu.memory_space<hbm>> -> memref<1x200x32xf32, #tpu.memory_space<hbm>>
        %dma_wait3A_312 = tpu.memref_squeeze %dma_wait3A_311 : memref<1x200x32xf32, #tpu.memory_space<hbm>> -> memref<200x32xf32, #tpu.memory_space<hbm>>
        %dma_wait3A_313 = arith.constant 0 : i32
        %dma_wait3A_314 = arith.constant 0 : i32
        %dma_wait3A_315 = tpu.memref_slice %arg8[%dma_wait3A_313, %dma_wait3A_314] : memref<800x32xf32, #tpu.memory_space<vmem>> -> memref<200x32xf32, #tpu.memory_space<vmem>>
        tpu.wait_dma2 semaphore(%arg15 : memref<!tpu.dma_semaphore, #tpu.memory_space<semaphore_mem>>) src(%dma_wait3A_315 : memref<200x32xf32, #tpu.memory_space<vmem>>) dst(%dma_wait3A_312 : memref<200x32xf32, #tpu.memory_space<hbm>>)
        %sub3A_316 = arith.constant 1 : i32
        %sub3A_317 = arith.subi %add3A_194, %sub3A_316 : i32
        %mul3A_318 = arith.constant 4 : i32
        %mul3A_319 = arith.muli %sub3A_317, %mul3A_318 : i32
        %add3A_320 = arith.addi %mul3A_4, %mul3A_319 : i32
        %add3A_321 = arith.constant 1 : i32
        %add3A_322 = arith.addi %add3A_320, %add3A_321 : i32
        %dma_wait3A_323 = arith.constant 200 : i32
        %dma_wait3A_324 = arith.constant 0 : i32
        %dma_wait3A_325 = tpu.memref_slice %arg8[%dma_wait3A_323, %dma_wait3A_324] : memref<800x32xf32, #tpu.memory_space<vmem>> -> memref<200x32xf32, #tpu.memory_space<vmem>>
        %dma_wait3A_326 = arith.constant 0 : i32
        %dma_wait3A_327 = arith.constant 0 : i32
        %dma_wait3A_328 = tpu.memref_slice %arg5[%add3A_322, %dma_wait3A_326, %dma_wait3A_327] : memref<4096x200x32xf32, #tpu.memory_space<hbm>> -> memref<1x200x32xf32, #tpu.memory_space<hbm>>
        %dma_wait3A_329 = tpu.memref_squeeze %dma_wait3A_328 : memref<1x200x32xf32, #tpu.memory_space<hbm>> -> memref<200x32xf32, #tpu.memory_space<hbm>>
        %dma_wait3A_330 = arith.constant 0 : i32
        %dma_wait3A_331 = arith.constant 0 : i32
        %dma_wait3A_332 = tpu.memref_slice %arg5[%add3A_322, %dma_wait3A_330, %dma_wait3A_331] : memref<4096x200x32xf32, #tpu.memory_space<hbm>> -> memref<1x200x32xf32, #tpu.memory_space<hbm>>
        %dma_wait3A_333 = tpu.memref_squeeze %dma_wait3A_332 : memref<1x200x32xf32, #tpu.memory_space<hbm>> -> memref<200x32xf32, #tpu.memory_space<hbm>>
        %dma_wait3A_334 = arith.constant 200 : i32
        %dma_wait3A_335 = arith.constant 0 : i32
        %dma_wait3A_336 = tpu.memref_slice %arg8[%dma_wait3A_334, %dma_wait3A_335] : memref<800x32xf32, #tpu.memory_space<vmem>> -> memref<200x32xf32, #tpu.memory_space<vmem>>
        tpu.wait_dma2 semaphore(%arg15 : memref<!tpu.dma_semaphore, #tpu.memory_space<semaphore_mem>>) src(%dma_wait3A_336 : memref<200x32xf32, #tpu.memory_space<vmem>>) dst(%dma_wait3A_333 : memref<200x32xf32, #tpu.memory_space<hbm>>)
        %sub3A_337 = arith.constant 1 : i32
        %sub3A_338 = arith.subi %add3A_194, %sub3A_337 : i32
        %mul3A_339 = arith.constant 4 : i32
        %mul3A_340 = arith.muli %sub3A_338, %mul3A_339 : i32
        %add3A_341 = arith.addi %mul3A_4, %mul3A_340 : i32
        %add3A_342 = arith.constant 2 : i32
        %add3A_343 = arith.addi %add3A_341, %add3A_342 : i32
        %dma_wait3A_344 = arith.constant 400 : i32
        %dma_wait3A_345 = arith.constant 0 : i32
        %dma_wait3A_346 = tpu.memref_slice %arg8[%dma_wait3A_344, %dma_wait3A_345] : memref<800x32xf32, #tpu.memory_space<vmem>> -> memref<200x32xf32, #tpu.memory_space<vmem>>
        %dma_wait3A_347 = arith.constant 0 : i32
        %dma_wait3A_348 = arith.constant 0 : i32
        %dma_wait3A_349 = tpu.memref_slice %arg5[%add3A_343, %dma_wait3A_347, %dma_wait3A_348] : memref<4096x200x32xf32, #tpu.memory_space<hbm>> -> memref<1x200x32xf32, #tpu.memory_space<hbm>>
        %dma_wait3A_350 = tpu.memref_squeeze %dma_wait3A_349 : memref<1x200x32xf32, #tpu.memory_space<hbm>> -> memref<200x32xf32, #tpu.memory_space<hbm>>
        %dma_wait3A_351 = arith.constant 0 : i32
        %dma_wait3A_352 = arith.constant 0 : i32
        %dma_wait3A_353 = tpu.memref_slice %arg5[%add3A_343, %dma_wait3A_351, %dma_wait3A_352] : memref<4096x200x32xf32, #tpu.memory_space<hbm>> -> memref<1x200x32xf32, #tpu.memory_space<hbm>>
        %dma_wait3A_354 = tpu.memref_squeeze %dma_wait3A_353 : memref<1x200x32xf32, #tpu.memory_space<hbm>> -> memref<200x32xf32, #tpu.memory_space<hbm>>
        %dma_wait3A_355 = arith.constant 400 : i32
        %dma_wait3A_356 = arith.constant 0 : i32
        %dma_wait3A_357 = tpu.memref_slice %arg8[%dma_wait3A_355, %dma_wait3A_356] : memref<800x32xf32, #tpu.memory_space<vmem>> -> memref<200x32xf32, #tpu.memory_space<vmem>>
        tpu.wait_dma2 semaphore(%arg15 : memref<!tpu.dma_semaphore, #tpu.memory_space<semaphore_mem>>) src(%dma_wait3A_357 : memref<200x32xf32, #tpu.memory_space<vmem>>) dst(%dma_wait3A_354 : memref<200x32xf32, #tpu.memory_space<hbm>>)
        %sub3A_358 = arith.constant 1 : i32
        %sub3A_359 = arith.subi %add3A_194, %sub3A_358 : i32
        %mul3A_360 = arith.constant 4 : i32
        %mul3A_361 = arith.muli %sub3A_359, %mul3A_360 : i32
        %add3A_362 = arith.addi %mul3A_4, %mul3A_361 : i32
        %add3A_363 = arith.constant 3 : i32
        %add3A_364 = arith.addi %add3A_362, %add3A_363 : i32
        %dma_wait3A_365 = arith.constant 600 : i32
        %dma_wait3A_366 = arith.constant 0 : i32
        %dma_wait3A_367 = tpu.memref_slice %arg8[%dma_wait3A_365, %dma_wait3A_366] : memref<800x32xf32, #tpu.memory_space<vmem>> -> memref<200x32xf32, #tpu.memory_space<vmem>>
        %dma_wait3A_368 = arith.constant 0 : i32
        %dma_wait3A_369 = arith.constant 0 : i32
        %dma_wait3A_370 = tpu.memref_slice %arg5[%add3A_364, %dma_wait3A_368, %dma_wait3A_369] : memref<4096x200x32xf32, #tpu.memory_space<hbm>> -> memref<1x200x32xf32, #tpu.memory_space<hbm>>
        %dma_wait3A_371 = tpu.memref_squeeze %dma_wait3A_370 : memref<1x200x32xf32, #tpu.memory_space<hbm>> -> memref<200x32xf32, #tpu.memory_space<hbm>>
        %dma_wait3A_372 = arith.constant 0 : i32
        %dma_wait3A_373 = arith.constant 0 : i32
        %dma_wait3A_374 = tpu.memref_slice %arg5[%add3A_364, %dma_wait3A_372, %dma_wait3A_373] : memref<4096x200x32xf32, #tpu.memory_space<hbm>> -> memref<1x200x32xf32, #tpu.memory_space<hbm>>
        %dma_wait3A_375 = tpu.memref_squeeze %dma_wait3A_374 : memref<1x200x32xf32, #tpu.memory_space<hbm>> -> memref<200x32xf32, #tpu.memory_space<hbm>>
        %dma_wait3A_376 = arith.constant 600 : i32
        %dma_wait3A_377 = arith.constant 0 : i32
        %dma_wait3A_378 = tpu.memref_slice %arg8[%dma_wait3A_376, %dma_wait3A_377] : memref<800x32xf32, #tpu.memory_space<vmem>> -> memref<200x32xf32, #tpu.memory_space<vmem>>
        tpu.wait_dma2 semaphore(%arg15 : memref<!tpu.dma_semaphore, #tpu.memory_space<semaphore_mem>>) src(%dma_wait3A_378 : memref<200x32xf32, #tpu.memory_space<vmem>>) dst(%dma_wait3A_375 : memref<200x32xf32, #tpu.memory_space<hbm>>)
      } else {
      }
      %add3A_200 = arith.constant 1 : i32
      %add3A_201 = arith.addi %add3A_194, %add3A_200 : i32
      %lt3A_202 = arith.constant 32 : i32
      %lt3A_203 = arith.cmpi slt, %add3A_201, %lt3A_202 : i32
      %convert_element_type3A_204 = arith.extui %lt3A_203 : i1 to i32
      %cond3A_205 = arith.constant 0 : i32
      %cond3A_206 = arith.cmpi ne, %convert_element_type3A_204, %cond3A_205 : i32
      scf.if %cond3A_206 {
        %add3A_296 = arith.constant 1 : i32
        %add3A_297 = arith.addi %add3A_194, %add3A_296 : i32
        %dma_wait3A_298 = arith.constant 0 : i32
        %dma_wait3A_299 = tpu.memref_slice %arg2[%add3A, %add3A_297, %dma_wait3A_298] : memref<32x32x800xi32, #tpu.memory_space<hbm>> -> memref<1x1x800xi32, #tpu.memory_space<hbm>>
        %dma_wait3A_300 = tpu.memref_squeeze %dma_wait3A_299 : memref<1x1x800xi32, #tpu.memory_space<hbm>> -> memref<800xi32, #tpu.memory_space<hbm>>
        %dma_wait3A_301 = arith.constant 0 : i32
        %dma_wait3A_302 = tpu.memref_slice %arg2[%add3A, %add3A_297, %dma_wait3A_301] : memref<32x32x800xi32, #tpu.memory_space<hbm>> -> memref<1x1x800xi32, #tpu.memory_space<hbm>>
        %dma_wait3A_303 = tpu.memref_squeeze %dma_wait3A_302 : memref<1x1x800xi32, #tpu.memory_space<hbm>> -> memref<800xi32, #tpu.memory_space<hbm>>
        tpu.wait_dma2 semaphore(%arg11 : memref<!tpu.dma_semaphore, #tpu.memory_space<semaphore_mem>>) src(%dma_wait3A_303 : memref<800xi32, #tpu.memory_space<hbm>>) dst(%arg6 : memref<800xi32, #tpu.memory_space<vmem>>)
        %dma_start3A_304 = arith.constant 0 : i32
        %dma_start3A_305 = arith.constant 0 : i32
        %dma_start3A_306 = tpu.memref_slice %arg3[%dma_start3A_304, %dma_start3A_305] : memref<1000000x32xf32, #tpu.memory_space<hbm>> -> memref<1000000x32xf32, #tpu.memory_space<hbm>>
        tpu.enqueue_indirect_dma source(%dma_start3A_306 : memref<1000000x32xf32, #tpu.memory_space<hbm>>) target(%arg8 : memref<800x32xf32, #tpu.memory_space<vmem>>) offsets(%arg6 : memref<800xi32, #tpu.memory_space<vmem>>) semaphore(%arg13 : memref<!tpu.dma_semaphore, #tpu.memory_space<semaphore_mem>>)
      } else {
      }
      %dma_wait3A_207 = arith.constant 0 : i32
      %dma_wait3A_208 = arith.constant 0 : i32
      %dma_wait3A_209 = tpu.memref_slice %arg3[%dma_wait3A_207, %dma_wait3A_208] : memref<1000000x32xf32, #tpu.memory_space<hbm>> -> memref<1000000x32xf32, #tpu.memory_space<hbm>>
      tpu.wait_indirect_dma semaphore(%arg14 : memref<!tpu.dma_semaphore, #tpu.memory_space<semaphore_mem>>) src(%dma_wait3A_209 : memref<1000000x32xf32, #tpu.memory_space<hbm>>) dst(%arg9 : memref<800x32xf32, #tpu.memory_space<vmem>>)
      %add3A_210 = arith.constant 2 : i32
      %add3A_211 = arith.addi %add3A_194, %add3A_210 : i32
      %lt3A_212 = arith.constant 32 : i32
      %lt3A_213 = arith.cmpi slt, %add3A_211, %lt3A_212 : i32
      %convert_element_type3A_214 = arith.extui %lt3A_213 : i1 to i32
      %cond3A_215 = arith.constant 0 : i32
      %cond3A_216 = arith.cmpi ne, %convert_element_type3A_214, %cond3A_215 : i32
      scf.if %cond3A_216 {
        %add3A_296 = arith.constant 2 : i32
        %add3A_297 = arith.addi %add3A_194, %add3A_296 : i32
        %dma_start3A_298 = arith.constant 0 : i32
        %dma_start3A_299 = tpu.memref_slice %arg2[%add3A, %add3A_297, %dma_start3A_298] : memref<32x32x800xi32, #tpu.memory_space<hbm>> -> memref<1x1x800xi32, #tpu.memory_space<hbm>>
        %dma_start3A_300 = tpu.memref_squeeze %dma_start3A_299 : memref<1x1x800xi32, #tpu.memory_space<hbm>> -> memref<800xi32, #tpu.memory_space<hbm>>
        %dma_start3A_301 = arith.constant 0 : i32
        %dma_start3A_302 = tpu.memref_slice %arg2[%add3A, %add3A_297, %dma_start3A_301] : memref<32x32x800xi32, #tpu.memory_space<hbm>> -> memref<1x1x800xi32, #tpu.memory_space<hbm>>
        %dma_start3A_303 = tpu.memref_squeeze %dma_start3A_302 : memref<1x1x800xi32, #tpu.memory_space<hbm>> -> memref<800xi32, #tpu.memory_space<hbm>>
        tpu.enqueue_dma source(%dma_start3A_303 : memref<800xi32, #tpu.memory_space<hbm>>) target(%arg7 : memref<800xi32, #tpu.memory_space<vmem>>) target_semaphore(%arg12 : memref<!tpu.dma_semaphore, #tpu.memory_space<semaphore_mem>>)
      } else {
      }
      %parallel_loop3A_217 = arith.constant 0 : i32
      %parallel_loop3A_218 = arith.constant 200 : i32
      %parallel_loop3A_219 = arith.constant 1 : i32
      scf.for %parallel_loop3A_296 = %parallel_loop3A_217 to %parallel_loop3A_218 step %parallel_loop3A_219  : i32 {
        %parallel_loop3A_297 = arith.index_cast %parallel_loop3A_296 : i32 to index
        %parallel_loop3A_298 = arith.constant 0 : index
        %parallel_loop3A_299 = tpu.vector_load %arg10[%parallel_loop3A_297, %parallel_loop3A_298] {strides = array<i32>} : memref<200x32xf32, #tpu.memory_space<vmem>>, vector<1x16xf32>,
        %parallel_loop3A_300 = vector.shape_cast %parallel_loop3A_299 : vector<1x16xf32> to vector<16xf32>
        %parallel_loop3A_301 = arith.index_cast %parallel_loop3A_296 : i32 to index
        %parallel_loop3A_302 = arith.constant 16 : index
        %parallel_loop3A_303 = tpu.vector_load %arg10[%parallel_loop3A_301, %parallel_loop3A_302] {strides = array<i32>} : memref<200x32xf32, #tpu.memory_space<vmem>>, vector<1x16xf32>,
        %parallel_loop3A_304 = vector.shape_cast %parallel_loop3A_303 : vector<1x16xf32> to vector<16xf32>
        %parallel_loop3A_305 = arith.constant 0 : i32
        %parallel_loop3A_306 = arith.addi %parallel_loop3A_305, %parallel_loop3A_296 : i32
        %parallel_loop3A_307 = arith.index_cast %parallel_loop3A_306 : i32 to index
        %parallel_loop3A_308 = arith.constant 0 : index
        %parallel_loop3A_309 = tpu.vector_load %arg9[%parallel_loop3A_307, %parallel_loop3A_308] {strides = array<i32>} : memref<800x32xf32, #tpu.memory_space<vmem>>, vector<1x16xf32>,
        %parallel_loop3A_310 = vector.shape_cast %parallel_loop3A_309 : vector<1x16xf32> to vector<16xf32>
        %parallel_loop3A_311 = arith.addf %parallel_loop3A_310, %parallel_loop3A_300 : vector<16xf32>
        %parallel_loop3A_312 = arith.index_cast %parallel_loop3A_306 : i32 to index
        %parallel_loop3A_313 = arith.constant 0 : index
        %parallel_loop3A_314 = tpu.vector_load %arg9[%parallel_loop3A_312, %parallel_loop3A_313] {strides = array<i32>} : memref<800x32xf32, #tpu.memory_space<vmem>>, vector<1x16xf32>,
        %parallel_loop3A_315 = vector.shape_cast %parallel_loop3A_314 : vector<1x16xf32> to vector<16xf32>
        %parallel_loop3A_316 = vector.shape_cast %parallel_loop3A_311 : vector<16xf32> to vector<1x16xf32>
        tpu.vector_store %arg9[%parallel_loop3A_312, %parallel_loop3A_313], %parallel_loop3A_316 {strides = array<i32>} : memref<800x32xf32, #tpu.memory_space<vmem>>, vector<1x16xf32>,
        %parallel_loop3A_317 = arith.index_cast %parallel_loop3A_306 : i32 to index
        %parallel_loop3A_318 = arith.constant 16 : index
        %parallel_loop3A_319 = tpu.vector_load %arg9[%parallel_loop3A_317, %parallel_loop3A_318] {strides = array<i32>} : memref<800x32xf32, #tpu.memory_space<vmem>>, vector<1x16xf32>,
        %parallel_loop3A_320 = vector.shape_cast %parallel_loop3A_319 : vector<1x16xf32> to vector<16xf32>
        %parallel_loop3A_321 = arith.addf %parallel_loop3A_320, %parallel_loop3A_304 : vector<16xf32>
        %parallel_loop3A_322 = arith.index_cast %parallel_loop3A_306 : i32 to index
        %parallel_loop3A_323 = arith.constant 16 : index
        %parallel_loop3A_324 = tpu.vector_load %arg9[%parallel_loop3A_322, %parallel_loop3A_323] {strides = array<i32>} : memref<800x32xf32, #tpu.memory_space<vmem>>, vector<1x16xf32>,
        %parallel_loop3A_325 = vector.shape_cast %parallel_loop3A_324 : vector<1x16xf32> to vector<16xf32>
        %parallel_loop3A_326 = vector.shape_cast %parallel_loop3A_321 : vector<16xf32> to vector<1x16xf32>
        tpu.vector_store %arg9[%parallel_loop3A_322, %parallel_loop3A_323], %parallel_loop3A_326 {strides = array<i32>} : memref<800x32xf32, #tpu.memory_space<vmem>>, vector<1x16xf32>,
        %parallel_loop3A_327 = arith.constant 200 : i32
        %parallel_loop3A_328 = arith.addi %parallel_loop3A_327, %parallel_loop3A_296 : i32
        %parallel_loop3A_329 = arith.index_cast %parallel_loop3A_328 : i32 to index
        %parallel_loop3A_330 = arith.constant 0 : index
        %parallel_loop3A_331 = tpu.vector_load %arg9[%parallel_loop3A_329, %parallel_loop3A_330] {strides = array<i32>} : memref<800x32xf32, #tpu.memory_space<vmem>>, vector<1x16xf32>,
        %parallel_loop3A_332 = vector.shape_cast %parallel_loop3A_331 : vector<1x16xf32> to vector<16xf32>
        %parallel_loop3A_333 = arith.addf %parallel_loop3A_332, %parallel_loop3A_300 : vector<16xf32>
        %parallel_loop3A_334 = arith.index_cast %parallel_loop3A_328 : i32 to index
        %parallel_loop3A_335 = arith.constant 0 : index
        %parallel_loop3A_336 = tpu.vector_load %arg9[%parallel_loop3A_334, %parallel_loop3A_335] {strides = array<i32>} : memref<800x32xf32, #tpu.memory_space<vmem>>, vector<1x16xf32>,
        %parallel_loop3A_337 = vector.shape_cast %parallel_loop3A_336 : vector<1x16xf32> to vector<16xf32>
        %parallel_loop3A_338 = vector.shape_cast %parallel_loop3A_333 : vector<16xf32> to vector<1x16xf32>
        tpu.vector_store %arg9[%parallel_loop3A_334, %parallel_loop3A_335], %parallel_loop3A_338 {strides = array<i32>} : memref<800x32xf32, #tpu.memory_space<vmem>>, vector<1x16xf32>,
        %parallel_loop3A_339 = arith.index_cast %parallel_loop3A_328 : i32 to index
        %parallel_loop3A_340 = arith.constant 16 : index
        %parallel_loop3A_341 = tpu.vector_load %arg9[%parallel_loop3A_339, %parallel_loop3A_340] {strides = array<i32>} : memref<800x32xf32, #tpu.memory_space<vmem>>, vector<1x16xf32>,
        %parallel_loop3A_342 = vector.shape_cast %parallel_loop3A_341 : vector<1x16xf32> to vector<16xf32>
        %parallel_loop3A_343 = arith.addf %parallel_loop3A_342, %parallel_loop3A_304 : vector<16xf32>
        %parallel_loop3A_344 = arith.index_cast %parallel_loop3A_328 : i32 to index
        %parallel_loop3A_345 = arith.constant 16 : index
        %parallel_loop3A_346 = tpu.vector_load %arg9[%parallel_loop3A_344, %parallel_loop3A_345] {strides = array<i32>} : memref<800x32xf32, #tpu.memory_space<vmem>>, vector<1x16xf32>,
        %parallel_loop3A_347 = vector.shape_cast %parallel_loop3A_346 : vector<1x16xf32> to vector<16xf32>
        %parallel_loop3A_348 = vector.shape_cast %parallel_loop3A_343 : vector<16xf32> to vector<1x16xf32>
        tpu.vector_store %arg9[%parallel_loop3A_344, %parallel_loop3A_345], %parallel_loop3A_348 {strides = array<i32>} : memref<800x32xf32, #tpu.memory_space<vmem>>, vector<1x16xf32>,
        %parallel_loop3A_349 = arith.constant 400 : i32
        %parallel_loop3A_350 = arith.addi %parallel_loop3A_349, %parallel_loop3A_296 : i32
        %parallel_loop3A_351 = arith.index_cast %parallel_loop3A_350 : i32 to index
        %parallel_loop3A_352 = arith.constant 0 : index
        %parallel_loop3A_353 = tpu.vector_load %arg9[%parallel_loop3A_351, %parallel_loop3A_352] {strides = array<i32>} : memref<800x32xf32, #tpu.memory_space<vmem>>, vector<1x16xf32>,
        %parallel_loop3A_354 = vector.shape_cast %parallel_loop3A_353 : vector<1x16xf32> to vector<16xf32>
        %parallel_loop3A_355 = arith.addf %parallel_loop3A_354, %parallel_loop3A_300 : vector<16xf32>
        %parallel_loop3A_356 = arith.index_cast %parallel_loop3A_350 : i32 to index
        %parallel_loop3A_357 = arith.constant 0 : index
        %parallel_loop3A_358 = tpu.vector_load %arg9[%parallel_loop3A_356, %parallel_loop3A_357] {strides = array<i32>} : memref<800x32xf32, #tpu.memory_space<vmem>>, vector<1x16xf32>,
        %parallel_loop3A_359 = vector.shape_cast %parallel_loop3A_358 : vector<1x16xf32> to vector<16xf32>
        %parallel_loop3A_360 = vector.shape_cast %parallel_loop3A_355 : vector<16xf32> to vector<1x16xf32>
        tpu.vector_store %arg9[%parallel_loop3A_356, %parallel_loop3A_357], %parallel_loop3A_360 {strides = array<i32>} : memref<800x32xf32, #tpu.memory_space<vmem>>, vector<1x16xf32>,
        %parallel_loop3A_361 = arith.index_cast %parallel_loop3A_350 : i32 to index
        %parallel_loop3A_362 = arith.constant 16 : index
        %parallel_loop3A_363 = tpu.vector_load %arg9[%parallel_loop3A_361, %parallel_loop3A_362] {strides = array<i32>} : memref<800x32xf32, #tpu.memory_space<vmem>>, vector<1x16xf32>,
        %parallel_loop3A_364 = vector.shape_cast %parallel_loop3A_363 : vector<1x16xf32> to vector<16xf32>
        %parallel_loop3A_365 = arith.addf %parallel_loop3A_364, %parallel_loop3A_304 : vector<16xf32>
        %parallel_loop3A_366 = arith.index_cast %parallel_loop3A_350 : i32 to index
        %parallel_loop3A_367 = arith.constant 16 : index
        %parallel_loop3A_368 = tpu.vector_load %arg9[%parallel_loop3A_366, %parallel_loop3A_367] {strides = array<i32>} : memref<800x32xf32, #tpu.memory_space<vmem>>, vector<1x16xf32>,
        %parallel_loop3A_369 = vector.shape_cast %parallel_loop3A_368 : vector<1x16xf32> to vector<16xf32>
        %parallel_loop3A_370 = vector.shape_cast %parallel_loop3A_365 : vector<16xf32> to vector<1x16xf32>
        tpu.vector_store %arg9[%parallel_loop3A_366, %parallel_loop3A_367], %parallel_loop3A_370 {strides = array<i32>} : memref<800x32xf32, #tpu.memory_space<vmem>>, vector<1x16xf32>,
        %parallel_loop3A_371 = arith.constant 600 : i32
        %parallel_loop3A_372 = arith.addi %parallel_loop3A_371, %parallel_loop3A_296 : i32
        %parallel_loop3A_373 = arith.index_cast %parallel_loop3A_372 : i32 to index
        %parallel_loop3A_374 = arith.constant 0 : index
        %parallel_loop3A_375 = tpu.vector_load %arg9[%parallel_loop3A_373, %parallel_loop3A_374] {strides = array<i32>} : memref<800x32xf32, #tpu.memory_space<vmem>>, vector<1x16xf32>,
        %parallel_loop3A_376 = vector.shape_cast %parallel_loop3A_375 : vector<1x16xf32> to vector<16xf32>
        %parallel_loop3A_377 = arith.addf %parallel_loop3A_376, %parallel_loop3A_300 : vector<16xf32>
        %parallel_loop3A_378 = arith.index_cast %parallel_loop3A_372 : i32 to index
        %parallel_loop3A_379 = arith.constant 0 : index
        %parallel_loop3A_380 = tpu.vector_load %arg9[%parallel_loop3A_378, %parallel_loop3A_379] {strides = array<i32>} : memref<800x32xf32, #tpu.memory_space<vmem>>, vector<1x16xf32>,
        %parallel_loop3A_381 = vector.shape_cast %parallel_loop3A_380 : vector<1x16xf32> to vector<16xf32>
        %parallel_loop3A_382 = vector.shape_cast %parallel_loop3A_377 : vector<16xf32> to vector<1x16xf32>
        tpu.vector_store %arg9[%parallel_loop3A_378, %parallel_loop3A_379], %parallel_loop3A_382 {strides = array<i32>} : memref<800x32xf32, #tpu.memory_space<vmem>>, vector<1x16xf32>,
        %parallel_loop3A_383 = arith.index_cast %parallel_loop3A_372 : i32 to index
        %parallel_loop3A_384 = arith.constant 16 : index
        %parallel_loop3A_385 = tpu.vector_load %arg9[%parallel_loop3A_383, %parallel_loop3A_384] {strides = array<i32>} : memref<800x32xf32, #tpu.memory_space<vmem>>, vector<1x16xf32>,
        %parallel_loop3A_386 = vector.shape_cast %parallel_loop3A_385 : vector<1x16xf32> to vector<16xf32>
        %parallel_loop3A_387 = arith.addf %parallel_loop3A_386, %parallel_loop3A_304 : vector<16xf32>
        %parallel_loop3A_388 = arith.index_cast %parallel_loop3A_372 : i32 to index
        %parallel_loop3A_389 = arith.constant 16 : index
        %parallel_loop3A_390 = tpu.vector_load %arg9[%parallel_loop3A_388, %parallel_loop3A_389] {strides = array<i32>} : memref<800x32xf32, #tpu.memory_space<vmem>>, vector<1x16xf32>,
        %parallel_loop3A_391 = vector.shape_cast %parallel_loop3A_390 : vector<1x16xf32> to vector<16xf32>
        %parallel_loop3A_392 = vector.shape_cast %parallel_loop3A_387 : vector<16xf32> to vector<1x16xf32>
        tpu.vector_store %arg9[%parallel_loop3A_388, %parallel_loop3A_389], %parallel_loop3A_392 {strides = array<i32>} : memref<800x32xf32, #tpu.memory_space<vmem>>, vector<1x16xf32>,
      } {sc.loop_unroll_factor = 2 : i64, sc.parallel_access}
      %mul3A_220 = arith.constant 4 : i32
      %mul3A_221 = arith.muli %add3A_194, %mul3A_220 : i32
      %add3A_222 = arith.addi %mul3A_4, %mul3A_221 : i32
      %add3A_223 = arith.constant 0 : i32
      %add3A_224 = arith.addi %add3A_222, %add3A_223 : i32
      %dma_start3A_225 = arith.constant 0 : i32
      %dma_start3A_226 = arith.constant 0 : i32
      %dma_start3A_227 = tpu.memref_slice %arg9[%dma_start3A_225, %dma_start3A_226] : memref<800x32xf32, #tpu.memory_space<vmem>> -> memref<200x32xf32, #tpu.memory_space<vmem>>
      %dma_start3A_228 = arith.constant 0 : i32
      %dma_start3A_229 = arith.constant 0 : i32
      %dma_start3A_230 = tpu.memref_slice %arg5[%add3A_224, %dma_start3A_228, %dma_start3A_229] : memref<4096x200x32xf32, #tpu.memory_space<hbm>> -> memref<1x200x32xf32, #tpu.memory_space<hbm>>
      %dma_start3A_231 = tpu.memref_squeeze %dma_start3A_230 : memref<1x200x32xf32, #tpu.memory_space<hbm>> -> memref<200x32xf32, #tpu.memory_space<hbm>>
      %dma_start3A_232 = arith.constant 0 : i32
      %dma_start3A_233 = arith.constant 0 : i32
      %dma_start3A_234 = tpu.memref_slice %arg5[%add3A_224, %dma_start3A_232, %dma_start3A_233] : memref<4096x200x32xf32, #tpu.memory_space<hbm>> -> memref<1x200x32xf32, #tpu.memory_space<hbm>>
      %dma_start3A_235 = tpu.memref_squeeze %dma_start3A_234 : memref<1x200x32xf32, #tpu.memory_space<hbm>> -> memref<200x32xf32, #tpu.memory_space<hbm>>
      %dma_start3A_236 = arith.constant 0 : i32
      %dma_start3A_237 = arith.constant 0 : i32
      %dma_start3A_238 = tpu.memref_slice %arg9[%dma_start3A_236, %dma_start3A_237] : memref<800x32xf32, #tpu.memory_space<vmem>> -> memref<200x32xf32, #tpu.memory_space<vmem>>
      tpu.enqueue_dma source(%dma_start3A_238 : memref<200x32xf32, #tpu.memory_space<vmem>>) target(%dma_start3A_235 : memref<200x32xf32, #tpu.memory_space<hbm>>) target_semaphore(%arg16 : memref<!tpu.dma_semaphore, #tpu.memory_space<semaphore_mem>>)
      %mul3A_239 = arith.constant 4 : i32
      %mul3A_240 = arith.muli %add3A_194, %mul3A_239 : i32
      %add3A_241 = arith.addi %mul3A_4, %mul3A_240 : i32
      %add3A_242 = arith.constant 1 : i32
      %add3A_243 = arith.addi %add3A_241, %add3A_242 : i32
      %dma_start3A_244 = arith.constant 200 : i32
      %dma_start3A_245 = arith.constant 0 : i32
      %dma_start3A_246 = tpu.memref_slice %arg9[%dma_start3A_244, %dma_start3A_245] : memref<800x32xf32, #tpu.memory_space<vmem>> -> memref<200x32xf32, #tpu.memory_space<vmem>>
      %dma_start3A_247 = arith.constant 0 : i32
      %dma_start3A_248 = arith.constant 0 : i32
      %dma_start3A_249 = tpu.memref_slice %arg5[%add3A_243, %dma_start3A_247, %dma_start3A_248] : memref<4096x200x32xf32, #tpu.memory_space<hbm>> -> memref<1x200x32xf32, #tpu.memory_space<hbm>>
      %dma_start3A_250 = tpu.memref_squeeze %dma_start3A_249 : memref<1x200x32xf32, #tpu.memory_space<hbm>> -> memref<200x32xf32, #tpu.memory_space<hbm>>
      %dma_start3A_251 = arith.constant 0 : i32
      %dma_start3A_252 = arith.constant 0 : i32
      %dma_start3A_253 = tpu.memref_slice %arg5[%add3A_243, %dma_start3A_251, %dma_start3A_252] : memref<4096x200x32xf32, #tpu.memory_space<hbm>> -> memref<1x200x32xf32, #tpu.memory_space<hbm>>
      %dma_start3A_254 = tpu.memref_squeeze %dma_start3A_253 : memref<1x200x32xf32, #tpu.memory_space<hbm>> -> memref<200x32xf32, #tpu.memory_space<hbm>>
      %dma_start3A_255 = arith.constant 200 : i32
      %dma_start3A_256 = arith.constant 0 : i32
      %dma_start3A_257 = tpu.memref_slice %arg9[%dma_start3A_255, %dma_start3A_256] : memref<800x32xf32, #tpu.memory_space<vmem>> -> memref<200x32xf32, #tpu.memory_space<vmem>>
      tpu.enqueue_dma source(%dma_start3A_257 : memref<200x32xf32, #tpu.memory_space<vmem>>) target(%dma_start3A_254 : memref<200x32xf32, #tpu.memory_space<hbm>>) target_semaphore(%arg16 : memref<!tpu.dma_semaphore, #tpu.memory_space<semaphore_mem>>)
      %mul3A_258 = arith.constant 4 : i32
      %mul3A_259 = arith.muli %add3A_194, %mul3A_258 : i32
      %add3A_260 = arith.addi %mul3A_4, %mul3A_259 : i32
      %add3A_261 = arith.constant 2 : i32
      %add3A_262 = arith.addi %add3A_260, %add3A_261 : i32
      %dma_start3A_263 = arith.constant 400 : i32
      %dma_start3A_264 = arith.constant 0 : i32
      %dma_start3A_265 = tpu.memref_slice %arg9[%dma_start3A_263, %dma_start3A_264] : memref<800x32xf32, #tpu.memory_space<vmem>> -> memref<200x32xf32, #tpu.memory_space<vmem>>
      %dma_start3A_266 = arith.constant 0 : i32
      %dma_start3A_267 = arith.constant 0 : i32
      %dma_start3A_268 = tpu.memref_slice %arg5[%add3A_262, %dma_start3A_266, %dma_start3A_267] : memref<4096x200x32xf32, #tpu.memory_space<hbm>> -> memref<1x200x32xf32, #tpu.memory_space<hbm>>
      %dma_start3A_269 = tpu.memref_squeeze %dma_start3A_268 : memref<1x200x32xf32, #tpu.memory_space<hbm>> -> memref<200x32xf32, #tpu.memory_space<hbm>>
      %dma_start3A_270 = arith.constant 0 : i32
      %dma_start3A_271 = arith.constant 0 : i32
      %dma_start3A_272 = tpu.memref_slice %arg5[%add3A_262, %dma_start3A_270, %dma_start3A_271] : memref<4096x200x32xf32, #tpu.memory_space<hbm>> -> memref<1x200x32xf32, #tpu.memory_space<hbm>>
      %dma_start3A_273 = tpu.memref_squeeze %dma_start3A_272 : memref<1x200x32xf32, #tpu.memory_space<hbm>> -> memref<200x32xf32, #tpu.memory_space<hbm>>
      %dma_start3A_274 = arith.constant 400 : i32
      %dma_start3A_275 = arith.constant 0 : i32
      %dma_start3A_276 = tpu.memref_slice %arg9[%dma_start3A_274, %dma_start3A_275] : memref<800x32xf32, #tpu.memory_space<vmem>> -> memref<200x32xf32, #tpu.memory_space<vmem>>
      tpu.enqueue_dma source(%dma_start3A_276 : memref<200x32xf32, #tpu.memory_space<vmem>>) target(%dma_start3A_273 : memref<200x32xf32, #tpu.memory_space<hbm>>) target_semaphore(%arg16 : memref<!tpu.dma_semaphore, #tpu.memory_space<semaphore_mem>>)
      %mul3A_277 = arith.constant 4 : i32
      %mul3A_278 = arith.muli %add3A_194, %mul3A_277 : i32
      %add3A_279 = arith.addi %mul3A_4, %mul3A_278 : i32
      %add3A_280 = arith.constant 3 : i32
      %add3A_281 = arith.addi %add3A_279, %add3A_280 : i32
      %dma_start3A_282 = arith.constant 600 : i32
      %dma_start3A_283 = arith.constant 0 : i32
      %dma_start3A_284 = tpu.memref_slice %arg9[%dma_start3A_282, %dma_start3A_283] : memref<800x32xf32, #tpu.memory_space<vmem>> -> memref<200x32xf32, #tpu.memory_space<vmem>>
      %dma_start3A_285 = arith.constant 0 : i32
      %dma_start3A_286 = arith.constant 0 : i32
      %dma_start3A_287 = tpu.memref_slice %arg5[%add3A_281, %dma_start3A_285, %dma_start3A_286] : memref<4096x200x32xf32, #tpu.memory_space<hbm>> -> memref<1x200x32xf32, #tpu.memory_space<hbm>>
      %dma_start3A_288 = tpu.memref_squeeze %dma_start3A_287 : memref<1x200x32xf32, #tpu.memory_space<hbm>> -> memref<200x32xf32, #tpu.memory_space<hbm>>
      %dma_start3A_289 = arith.constant 0 : i32
      %dma_start3A_290 = arith.constant 0 : i32
      %dma_start3A_291 = tpu.memref_slice %arg5[%add3A_281, %dma_start3A_289, %dma_start3A_290] : memref<4096x200x32xf32, #tpu.memory_space<hbm>> -> memref<1x200x32xf32, #tpu.memory_space<hbm>>
      %dma_start3A_292 = tpu.memref_squeeze %dma_start3A_291 : memref<1x200x32xf32, #tpu.memory_space<hbm>> -> memref<200x32xf32, #tpu.memory_space<hbm>>
      %dma_start3A_293 = arith.constant 600 : i32
      %dma_start3A_294 = arith.constant 0 : i32
      %dma_start3A_295 = tpu.memref_slice %arg9[%dma_start3A_293, %dma_start3A_294] : memref<800x32xf32, #tpu.memory_space<vmem>> -> memref<200x32xf32, #tpu.memory_space<vmem>>
      tpu.enqueue_dma source(%dma_start3A_295 : memref<200x32xf32, #tpu.memory_space<vmem>>) target(%dma_start3A_292 : memref<200x32xf32, #tpu.memory_space<hbm>>) target_semaphore(%arg16 : memref<!tpu.dma_semaphore, #tpu.memory_space<semaphore_mem>>)
    }
    %scan3A_18 = arith.constant 16 : i32
    %add3A_19 = arith.constant 124 : i32
    %add3A_20 = arith.addi %mul3A_4, %add3A_19 : i32
    %add3A_21 = arith.constant 0 : i32
    %add3A_22 = arith.addi %add3A_20, %add3A_21 : i32
    %dma_wait3A = arith.constant 0 : i32
    %dma_wait3A_23 = arith.constant 0 : i32
    %dma_wait3A_24 = tpu.memref_slice %arg9[%dma_wait3A, %dma_wait3A_23] : memref<800x32xf32, #tpu.memory_space<vmem>> -> memref<200x32xf32, #tpu.memory_space<vmem>>
    %dma_wait3A_25 = arith.constant 0 : i32
    %dma_wait3A_26 = arith.constant 0 : i32
    %dma_wait3A_27 = tpu.memref_slice %arg5[%add3A_22, %dma_wait3A_25, %dma_wait3A_26] : memref<4096x200x32xf32, #tpu.memory_space<hbm>> -> memref<1x200x32xf32, #tpu.memory_space<hbm>>
    %dma_wait3A_28 = tpu.memref_squeeze %dma_wait3A_27 : memref<1x200x32xf32, #tpu.memory_space<hbm>> -> memref<200x32xf32, #tpu.memory_space<hbm>>
    %dma_wait3A_29 = arith.constant 0 : i32
    %dma_wait3A_30 = arith.constant 0 : i32
    %dma_wait3A_31 = tpu.memref_slice %arg5[%add3A_22, %dma_wait3A_29, %dma_wait3A_30] : memref<4096x200x32xf32, #tpu.memory_space<hbm>> -> memref<1x200x32xf32, #tpu.memory_space<hbm>>
    %dma_wait3A_32 = tpu.memref_squeeze %dma_wait3A_31 : memref<1x200x32xf32, #tpu.memory_space<hbm>> -> memref<200x32xf32, #tpu.memory_space<hbm>>
    %dma_wait3A_33 = arith.constant 0 : i32
    %dma_wait3A_34 = arith.constant 0 : i32
    %dma_wait3A_35 = tpu.memref_slice %arg9[%dma_wait3A_33, %dma_wait3A_34] : memref<800x32xf32, #tpu.memory_space<vmem>> -> memref<200x32xf32, #tpu.memory_space<vmem>>
    tpu.wait_dma2 semaphore(%arg16 : memref<!tpu.dma_semaphore, #tpu.memory_space<semaphore_mem>>) src(%dma_wait3A_35 : memref<200x32xf32, #tpu.memory_space<vmem>>) dst(%dma_wait3A_32 : memref<200x32xf32, #tpu.memory_space<hbm>>)
    %add3A_36 = arith.constant 124 : i32
    %add3A_37 = arith.addi %mul3A_4, %add3A_36 : i32
    %add3A_38 = arith.constant 1 : i32
    %add3A_39 = arith.addi %add3A_37, %add3A_38 : i32
    %dma_wait3A_40 = arith.constant 200 : i32
    %dma_wait3A_41 = arith.constant 0 : i32
    %dma_wait3A_42 = tpu.memref_slice %arg9[%dma_wait3A_40, %dma_wait3A_41] : memref<800x32xf32, #tpu.memory_space<vmem>> -> memref<200x32xf32, #tpu.memory_space<vmem>>
    %dma_wait3A_43 = arith.constant 0 : i32
    %dma_wait3A_44 = arith.constant 0 : i32
    %dma_wait3A_45 = tpu.memref_slice %arg5[%add3A_39, %dma_wait3A_43, %dma_wait3A_44] : memref<4096x200x32xf32, #tpu.memory_space<hbm>> -> memref<1x200x32xf32, #tpu.memory_space<hbm>>
    %dma_wait3A_46 = tpu.memref_squeeze %dma_wait3A_45 : memref<1x200x32xf32, #tpu.memory_space<hbm>> -> memref<200x32xf32, #tpu.memory_space<hbm>>
    %dma_wait3A_47 = arith.constant 0 : i32
    %dma_wait3A_48 = arith.constant 0 : i32
    %dma_wait3A_49 = tpu.memref_slice %arg5[%add3A_39, %dma_wait3A_47, %dma_wait3A_48] : memref<4096x200x32xf32, #tpu.memory_space<hbm>> -> memref<1x200x32xf32, #tpu.memory_space<hbm>>
    %dma_wait3A_50 = tpu.memref_squeeze %dma_wait3A_49 : memref<1x200x32xf32, #tpu.memory_space<hbm>> -> memref<200x32xf32, #tpu.memory_space<hbm>>
    %dma_wait3A_51 = arith.constant 200 : i32
    %dma_wait3A_52 = arith.constant 0 : i32
    %dma_wait3A_53 = tpu.memref_slice %arg9[%dma_wait3A_51, %dma_wait3A_52] : memref<800x32xf32, #tpu.memory_space<vmem>> -> memref<200x32xf32, #tpu.memory_space<vmem>>
    tpu.wait_dma2 semaphore(%arg16 : memref<!tpu.dma_semaphore, #tpu.memory_space<semaphore_mem>>) src(%dma_wait3A_53 : memref<200x32xf32, #tpu.memory_space<vmem>>) dst(%dma_wait3A_50 : memref<200x32xf32, #tpu.memory_space<hbm>>)
    %add3A_54 = arith.constant 124 : i32
    %add3A_55 = arith.addi %mul3A_4, %add3A_54 : i32
    %add3A_56 = arith.constant 2 : i32
    %add3A_57 = arith.addi %add3A_55, %add3A_56 : i32
    %dma_wait3A_58 = arith.constant 400 : i32
    %dma_wait3A_59 = arith.constant 0 : i32
    %dma_wait3A_60 = tpu.memref_slice %arg9[%dma_wait3A_58, %dma_wait3A_59] : memref<800x32xf32, #tpu.memory_space<vmem>> -> memref<200x32xf32, #tpu.memory_space<vmem>>
    %dma_wait3A_61 = arith.constant 0 : i32
    %dma_wait3A_62 = arith.constant 0 : i32
    %dma_wait3A_63 = tpu.memref_slice %arg5[%add3A_57, %dma_wait3A_61, %dma_wait3A_62] : memref<4096x200x32xf32, #tpu.memory_space<hbm>> -> memref<1x200x32xf32, #tpu.memory_space<hbm>>
    %dma_wait3A_64 = tpu.memref_squeeze %dma_wait3A_63 : memref<1x200x32xf32, #tpu.memory_space<hbm>> -> memref<200x32xf32, #tpu.memory_space<hbm>>
    %dma_wait3A_65 = arith.constant 0 : i32
    %dma_wait3A_66 = arith.constant 0 : i32
    %dma_wait3A_67 = tpu.memref_slice %arg5[%add3A_57, %dma_wait3A_65, %dma_wait3A_66] : memref<4096x200x32xf32, #tpu.memory_space<hbm>> -> memref<1x200x32xf32, #tpu.memory_space<hbm>>
    %dma_wait3A_68 = tpu.memref_squeeze %dma_wait3A_67 : memref<1x200x32xf32, #tpu.memory_space<hbm>> -> memref<200x32xf32, #tpu.memory_space<hbm>>
    %dma_wait3A_69 = arith.constant 400 : i32
    %dma_wait3A_70 = arith.constant 0 : i32
    %dma_wait3A_71 = tpu.memref_slice %arg9[%dma_wait3A_69, %dma_wait3A_70] : memref<800x32xf32, #tpu.memory_space<vmem>> -> memref<200x32xf32, #tpu.memory_space<vmem>>
    tpu.wait_dma2 semaphore(%arg16 : memref<!tpu.dma_semaphore, #tpu.memory_space<semaphore_mem>>) src(%dma_wait3A_71 : memref<200x32xf32, #tpu.memory_space<vmem>>) dst(%dma_wait3A_68 : memref<200x32xf32, #tpu.memory_space<hbm>>)
    %add3A_72 = arith.constant 124 : i32
    %add3A_73 = arith.addi %mul3A_4, %add3A_72 : i32
    %add3A_74 = arith.constant 3 : i32
    %add3A_75 = arith.addi %add3A_73, %add3A_74 : i32
    %dma_wait3A_76 = arith.constant 600 : i32
    %dma_wait3A_77 = arith.constant 0 : i32
    %dma_wait3A_78 = tpu.memref_slice %arg9[%dma_wait3A_76, %dma_wait3A_77] : memref<800x32xf32, #tpu.memory_space<vmem>> -> memref<200x32xf32, #tpu.memory_space<vmem>>
    %dma_wait3A_79 = arith.constant 0 : i32
    %dma_wait3A_80 = arith.constant 0 : i32
    %dma_wait3A_81 = tpu.memref_slice %arg5[%add3A_75, %dma_wait3A_79, %dma_wait3A_80] : memref<4096x200x32xf32, #tpu.memory_space<hbm>> -> memref<1x200x32xf32, #tpu.memory_space<hbm>>
    %dma_wait3A_82 = tpu.memref_squeeze %dma_wait3A_81 : memref<1x200x32xf32, #tpu.memory_space<hbm>> -> memref<200x32xf32, #tpu.memory_space<hbm>>
    %dma_wait3A_83 = arith.constant 0 : i32
    %dma_wait3A_84 = arith.constant 0 : i32
    %dma_wait3A_85 = tpu.memref_slice %arg5[%add3A_75, %dma_wait3A_83, %dma_wait3A_84] : memref<4096x200x32xf32, #tpu.memory_space<hbm>> -> memref<1x200x32xf32, #tpu.memory_space<hbm>>
    %dma_wait3A_86 = tpu.memref_squeeze %dma_wait3A_85 : memref<1x200x32xf32, #tpu.memory_space<hbm>> -> memref<200x32xf32, #tpu.memory_space<hbm>>
    %dma_wait3A_87 = arith.constant 600 : i32
    %dma_wait3A_88 = arith.constant 0 : i32
    %dma_wait3A_89 = tpu.memref_slice %arg9[%dma_wait3A_87, %dma_wait3A_88] : memref<800x32xf32, #tpu.memory_space<vmem>> -> memref<200x32xf32, #tpu.memory_space<vmem>>
    tpu.wait_dma2 semaphore(%arg16 : memref<!tpu.dma_semaphore, #tpu.memory_space<semaphore_mem>>) src(%dma_wait3A_89 : memref<200x32xf32, #tpu.memory_space<vmem>>) dst(%dma_wait3A_86 : memref<200x32xf32, #tpu.memory_space<hbm>>)
    return
  }
}

</mosaic_0001>

<sc_bundles>
// kernel: kernel.3.cloned.1.call-start
scs
__scs_entry_jumppad:
0x0: {  	(pc) =	sbr.rel $0x88, $3  }
0x1: {  	(tag) =	ssettag $0x0;
	lr =	simm.s32 $0x1  }
0x2: {  	[smem:$0x3F9E] =	sst lr;
	_ =	strace $0xD0000000  }
0x3: {  	_ = 	snop  }
0x4: {  	_ = 	snop  }
0x5: {  	_ = 	snop  }
0x6: {  	_ = 	snop  }
0x7: {  	_ = 	snop  }
__scs_overlays_trampoline_lowered:
0x8: {  	[smem:$0x3FAD] =	sst s0  }
0x9: {  	[smem:$0x3FAE] =	sst s1  }
0xa: {  	[smem:$0x3FAF] =	sst s2  }
0xb: {  	[smem:$0x3FB0] =	sst s3  }
0xc: {  	[smem:$0x3FB1] =	sst s4  }
0xd: {  	[smem:$0x3FB2] =	sst s5  }
0xe: {  	[smem:$0x3FB3] =	sst s6  }
0xf: {  	[smem:$0x3FB4] =	sst s7  }
0x10: {  	[smem:$0x3FB5] =	sst s8  }
0x11: {  	[smem:$0x3FB6] =	sst s9;
	s0 =	simm.s32 @!p0 $0x0  }
0x12: {  	s1 =	sld [smem:$0x3F9C];
	s0 =	simm.s32 @p0 $0x1  }
0x13: {  	[smem:$0x3FB7] =	sst s0;
	s0 =	simm.s32 @!p1 $0x0  }
0x14: {  	s2 =	sld [smem:$0x3F9B];
	s0 =	simm.s32 @p1 $0x1  }
0x15: {  	[smem:$0x3FB8] =	sst s0;
	s0 =	simm.s32 @!p2 $0x0  }
0x16: {  	s3 =	sld [smem:$0x3FDB];
	s0 =	simm.s32 @p2 $0x1  }
0x17: {  	s4 =	simm.s32 $0x1BF5;
	[smem:$0x3FBA] =	sst s0  }
0x18: {  	s0 =	sld [smem:$0x3F9D];
	_ =	swait.ge [sflag:s4], $0x0  }
0x19: {  	s7 =	sld [smem:$0x3F9E]  }
0x1a: {  	s8 =	sadd.s32 $0xFFFFE003, lr  }
0x1b: {  	s9 =	sadd.s32 $0xFFFFFEF7, lr;
	s5 =	simm.s32 $0xFFFFFFFF;
	p2 =	slt.u32 s8, $0xFFFFF086  }
0x1c: {  	p1 =	slt.u32 s9, $0xF7A;
	s5 =	simm.s32 @!p2 $0x0  }
0x1d: {  	s5 =	simm.s32 @p1 $0x1;
	p0 =	seq.s32 s7, s2  }
0x1e: {  	s7 =	smul.u32 @!p0 $0xF7A, s2;
	p2 =	seq.s32 @!p0 s5, $0x0  }
0x1f: {  	s9 =	smul.u32 $0xF7A, s1;
	s8 =	simm.s32 @!p0 $0x1BF5;
	p2 =	por !p2, p0  }
0x20: {  	[sflag:s8] =	ssyncset.s32 @!p0 $0xFFFFF086;
	s6 =	sadd.s32 @!p0 s3, s7;
	s7 =	simm.s32 @!p0 $0x108  }
0x21: {  	s3 =	sadd.s32 s3, s9;
	s6 =	sadd.s32 @!p0 $0x88, s6;
	s7 =	simm.s32 @p2 $0x1082  }
0x22: {  	[simem:s7], [sflag:s8] =	dma.local @!p0 [hbm:s6], $0xF7A  }
0x23: {  	s9 =	sor.u32 $0xD0000000, s2;
	s6 =	simm.s32 $0x108;
	_ =	swait.ge @!p0 [sflag:s8], $0x0  }
0x24: {  	s3 =	sadd.s32 $0x88, s3;
	s6 =	simm.s32 @!p1 $0x1082;
	[sflag:s4] =	ssyncset.s32 $0xFFFFF086  }
0x25: {  	[simem:s6], [sflag:s4] =	dma.local [hbm:s3], $0xF7A  }
0x26: {  	[smem:$0x3F9E] =	sst s1;
	(tag) =	ssettag s2;
	_ =	strace s9  }
0x27: {  	s1 =	sld [smem:$0x3FAE]  }
0x28: {  	s2 =	sld [smem:$0x3FAF]  }
0x29: {  	s4 =	sld [smem:$0x3FB1]  }
0x2a: {  	p0 =	seq.s32 s5, $0x0;
	s5 =	sld [smem:$0x3FB2]  }
0x2b: {  	s6 =	sld [smem:$0x3FB3]  }
0x2c: {  	s7 =	sld [smem:$0x3FB4]  }
0x2d: {  	s3 =	simm.s32 $0x108;
	s8 =	sld [smem:$0x3FB5]  }
0x2e: {  	s3 =	simm.s32 @!p0 $0x1082;
	s9 =	sld [smem:$0x3FB6]  }
0x2f: {  	lr =	sadd.s32 s0, s3;
	s0 =	sld [smem:$0x3FAD]  }
0x30: {  	s3 =	sld [smem:$0x3FB0]  }
0x31: {  	[smem:$0x3FB9] =	sst s10  }
0x32: {  	s10 =	sld [smem:$0x3FB7];
	_ =	sdelay $0x3  }
0x33: {  	p0 =	seq.s32 s10, $0x1;
	s10 =	sld [smem:$0x3FB9];
	_ =	sdelay $0x3  }
0x34: {  	[smem:$0x3FB9] =	sst s10  }
0x35: {  	s10 =	sld [smem:$0x3FB8];
	_ =	sdelay $0x3  }
0x36: {  	p1 =	seq.s32 s10, $0x1;
	s10 =	sld [smem:$0x3FB9];
	_ =	sdelay $0x3  }
0x37: {  	[smem:$0x3FB9] =	sst s10  }
0x38: {  	s10 =	sld [smem:$0x3FBA]  }
0x39: {  	_ = 	snop;
	(pc) =	sbr.ind lr, $3  }
0x3a: {  	_ = 	snop  }
0x3b: {  	_ = 	snop  }
0x3c: {  	p2 =	seq.s32 s10, $0x1;
	s10 =	sld [smem:$0x3FB9]  }
0x3d: {  	_ =	shalt  }
0x3e: {  	_ =	shalt  }
0x3f: {  	_ =	shalt  }
0x40: {  	_ =	shalt  }
0x41: {  	_ =	shalt  }
0x42: {  	_ =	shalt  }
0x43: {  	_ =	shalt  }
0x44: {  	_ =	shalt  }
0x45: {  	_ =	shalt  }
0x46: {  	_ =	shalt  }
0x47: {  	_ =	shalt  }
0x48: {  	_ =	shalt  }
0x49: {  	_ =	shalt  }
0x4a: {  	_ =	shalt  }
0x4b: {  	_ =	shalt  }
0x4c: {  	_ =	shalt  }
0x4d: {  	_ =	shalt  }
0x4e: {  	_ =	shalt  }
0x4f: {  	_ =	shalt  }
0x50: {  	_ =	shalt  }
0x51: {  	_ =	shalt  }
0x52: {  	_ =	shalt  }
0x53: {  	_ =	shalt  }
0x54: {  	_ =	shalt  }
0x55: {  	_ =	shalt  }
0x56: {  	_ =	shalt  }
0x57: {  	_ =	shalt  }
0x58: {  	_ =	shalt  }
0x59: {  	_ =	shalt  }
0x5a: {  	_ =	shalt  }
0x5b: {  	_ =	shalt  }
0x5c: {  	_ =	shalt  }
0x5d: {  	_ =	shalt  }
0x5e: {  	_ =	shalt  }
0x5f: {  	_ =	shalt  }
0x60: {  	_ =	shalt  }
0x61: {  	_ =	shalt  }
0x62: {  	_ =	shalt  }
0x63: {  	_ =	shalt  }
0x64: {  	_ =	shalt  }
0x65: {  	_ =	shalt  }
0x66: {  	_ =	shalt  }
0x67: {  	_ =	shalt  }
0x68: {  	_ =	shalt  }
0x69: {  	_ =	shalt  }
0x6a: {  	_ =	shalt  }
0x6b: {  	_ =	shalt  }
0x6c: {  	_ =	shalt  }
0x6d: {  	_ =	shalt  }
0x6e: {  	_ =	shalt  }
0x6f: {  	_ =	shalt  }
0x70: {  	_ =	shalt  }
0x71: {  	_ =	shalt  }
0x72: {  	_ =	shalt  }
0x73: {  	_ =	shalt  }
0x74: {  	_ =	shalt  }
0x75: {  	_ =	shalt  }
0x76: {  	_ =	shalt  }
0x77: {  	_ =	shalt  }
0x78: {  	_ =	shalt  }
0x79: {  	_ =	shalt  }
0x7a: {  	_ =	shalt  }
0x7b: {  	_ =	shalt  }
0x7c: {  	_ =	shalt  }
0x7d: {  	_ =	shalt  }
0x7e: {  	_ =	shalt  }
0x7f: {  	_ =	shalt  }
0x80: {  	_ =	shalt  }
0x81: {  	_ =	shalt  }
0x82: {  	_ =	shalt  }
0x83: {  	_ =	shalt  }
0x84: {  	_ =	shalt  }
0x85: {  	_ =	shalt  }
0x86: {  	_ =	shalt  }
0x87: {  	_ =	shalt  }
.Lfunc_end0:
.L_simem_size_0:
called_computation.1_lowered:
.L_overlay_start_0:
0x88: {  	s2 =	sld [smem:$0x3FD9]  }
0x89: {  	s3 =	sld [smem:$0x3FFE];
	_ =	sdelay $0x1  }
0x8a: {  	s1 =	srdreg.scid  }
0x8b: {  	s0 =	sand.u32 $0x1, s1  }
0x8c: {  	s17 =	sshll.u32 s0, $0xA;
	s2 =	sadd.s32 s3, s2  }
0x8d: {  	s2 =	sadd.s32 s2, s17  }
0x8e: {  	[smem:$0x3FC5] =	sst s2  }
0x8f: {  	_ = 	snop  }
0x90: {  	s2 =	sld [smem:$0x3FD0];
	(tm) =	ssettm $0x1  }
0x91: {  	s18 =	sld [smem:$0x3FFB];
	_ =	sdelay $0x3  }
0x92: {  	_ =	strace s18  }
0x93: {  	s3 =	sld [smem:$0x3FFC];
	_ =	sdelay $0x3  }
0x94: {  	_ =	strace s3  }
0x95: {  	s3 =	sld [smem:$0x3FFD];
	_ =	sdelay $0x3  }
0x96: {  	_ =	strace s3  }
0x97: {  	_ =	strace $0x8FFFFFFF  }
0x98: {  	s19 =	sld [smem:$0x3FDB];
	_ =	sdelay $0x1  }
0x99: {  	s4 =	simm.s32 $_scs_section_size  }
0x9a: {  	s5 =	simm.s32 $_size__tile_overlayer_lowered;
	s6 =	simm.s32 $_tile_overlayer_lowered  }
0x9b: {  	s22 =	simm.s32 $0x1BFF;
	s21 =	sshll.u32 s6, $0x1;
	s3 =	sadd.s32 s4, s19  }
0x9c: {  	s7 =	simm.s32 $0x0;
	s20 =	sshll.u32 s5, $0x1;
	s5 =	sadd.s32 s21, s3  }
0x9d: {  	[timem:s7], [sflag:s22] =	dma.local [hbm:s5], s20  }
0x9e: {  	_ =	swait.ge [sflag:s22], s20  }
0x9f: {  	s4 =	ssub.s32 $0x0, s20;
	[sflag:s22] =	ssyncset.done $0x0  }
0xa0: {  	[sflag:s22] =	ssyncadd.s32 s4;
	_ =	sdelay $0x1  }
0xa1: {  	s23 =	simm.s32 $0x1B8B  }
0xa2: {  	_ =	swait.ge [sflag:s23], $0x1  }
0xa3: {  	[sflag:s23] =	ssyncset.done $0x0  }
0xa4: {  	s25 =	simm.s32 $0x1B8E;
	s24 =	sld [smem:$0x3FFE];
	[sflag:s23] =	ssyncadd.s32 $0xFFFFFFFF  }
0xa5: {  	s26 =	simm.s32 $execute0_lowered;
	[smem:$0x3FD2] =	sst s25  }
0xa6: {  	s5 =	sshll.u32 s26, $0x1;
	_ =	strace $0x80000046;
	[dreg:$0x1] =	wrdreg $0xFFFFFFFF  }
0xa7: {  	s28 =	simm.s32 $_size_execute0_lowered;
	s3 =	sadd.s32 s3, s5;
	[dreg:$0x0] =	wrdreg $0x0  }
0xa8: {  	s5 =	sshll.u32 s28, $0x1;
	[dreg:$0x2] =	wrdreg s3  }
0xa9: {  	[dreg:$0x3] =	wrdreg s5  }
0xaa: {  	[dreg:$0x4] =	wrdreg $0xC0  }
0xab: {  	_ =	task [dreg:s7], $0x5FFFF  }
0xac: {  	[dreg:$0x1] =	wrdreg $0xFFFFFFFF  }
0xad: {  	[dreg:$0x0] =	wrdreg $0x60  }
0xae: {  	[dreg:$0x2] =	wrdreg s24  }
0xaf: {  	[dreg:$0x3] =	wrdreg s2  }
0xb0: {  	[dreg:$0x4] =	wrdreg $0x9  }
0xb1: {  	_ =	task.clear_ibuf [dreg:s7], $0x5FFFF;
	_ =	strace $0x90000046  }
0xb2: {  	s29 =	simm.s32 $0x9;
	_ =	strace $0x80000048  }
0xb3: {  	_ =	swait.ge [sflag:s29], $0x1  }
0xb4: {  	[sflag:s29] =	ssyncadd.s32 $0xFFFFFFFF  }
0xb5: {  	_ =	strace $0x90000048  }
0xb6: {  	_ =	sfence  }
0xb7: {  	s30 =	sld [smem:$0x0];
	_ =	sdelay $0x2  }
0xb8: {  	s31 =	sshll.u32 s1, $0xD;
	s1 =	sshrl.u32 s1, $0x2  }
0xb9: {  	s3 =	sand.u32 $0x4000, s31;
	s1 =	sadd.s32 s1, s30  }
0xba: {  	s0 =	sor.u32 s3, s0;
	s1 =	sshll.u32 s1, $0x11  }
0xbb: {  	s0 =	sor.u32 s1, s0  }
0xbc: {  	s0 =	sadd.s32 $0x8F2B, s0  }
0xbd: {  	[sflag:s0] =	ssyncadd.remote.s32 $0x1  }
0xbe: {  	_ =	sfence.sel $0xFFFF  }
0xbf: {  	[dreg:$0x0] =	wrdreg $0xFFFFFFFF;
	(pc) =	sbr.abs _section_cstart, $3  }
0xc0: {  	[dreg:$0x1] =	wrdreg $0xFFFFFFFF  }
0xc1: {  	_ =	task.clear_ibuf [dreg:s7], $0x2FFFF;
	_ =	strace $0x9FFFFFFF  }
0xc2: {  	(tm) =	ssettm $0x7FFFFFFF  }
0xc3: {  	_ =	shalt  }
tec
execute0_lowered:
.L_overlay_start_1:
0x0: {  	(tag) =	ssettag $0x1  }
0x1: {  	s0 =	rddreg [dreg:$0x0];
	s1 =	srdreg.scid  }
0x2: {  	s3 =	stileid.u32;
	s2 =	rddreg [dreg:$0x1]  }
0x3: {  	s14 =	simm.s32 $0x7;
	s15 =	simm.s32 $0x320;
	s16 =	simm.s32 $0x640  }
0x4: {  	s17 =	simm.s32 $0x2;
	s18 =	simm.s32 $0x6A40;
	s19 =	simm.s32 $0x3  }
0x5: {  	s20 =	simm.s32 $0x1F40;
	s21 =	simm.s32 $0x3840;
	s22 =	simm.s32 $0x5140  }
0x6: {  	s23 =	simm.s32 $0x5;
	s24 =	simm.s32 $0x8340;
	s25 =	simm.s32 $0x9C40  }
0x7: {  	s26 =	simm.s32 $0xB540;
	s28 =	simm.s32 $0x6;
	s29 =	simm.s32 $0x0  }
0x8: {  	s1 =	sand.u32 $0x1, s1;
	s4 =	sshll.u32 s3, $0x1;
	s3 =	simm.s32 $0x0  }
0x9: {  	s5 =	sadd.s32 $0xF43000, s0;
	s6 =	sor.u32 s1, s4;
	[smem:$0x7FF] =	sst s3  }
0xa: {  	s4 =	sadd.s32 $0xC00, s0;
	s1 =	ssub.s32 $0x2, s1;
	s11 =	smul.u32 $0x6400, s6  }
0xb: {  	s0 =	sadd.s32 $0x19C00, s0;
	_ =	strace $0x80000047;
	s7 =	sshrl.u32 s1, $0x1  }
0xc: {  	[dreg:$0x3] =	wrdreg s0;
	s31 =	ssub.s32 s1, s7;
	s8 =	sshrl.u32 s11, $0x3  }
0xd: {  	s10 =	sadd.s32 $0x640, s11;
	s11 =	sadd.s32 $0x960, s11;
	s7 =	sadd.s32 s4, s8  }
0xe: {  	s12 =	smax.u32 s31, $0x1;
	s8 =	sshll.u32 s6, $0x7;
	s9 =	sadd.s32 $0x64, s7  }
.LBB2_1:
0xf: {  	s0 =	rddreg [dreg:$0x3];
	s1 =	simm.s32 $0xCE40  }
0x10: {  	[tilespmem:s1], [sflag:$0x7] =	stream.linear.gather [hbm4b:s0+s3], $0x1900, $0x38;
	[tilespmem:$0xE740] =	vst v63  }
0x11: {  	_ =	swait.ge [sflag:s14], $0x1900  }
0x12: {  	[sflag:s14] =	ssyncset.done $0x0  }
0x13: {  	[sflag:s14] =	ssyncadd.s32 $0xFFFFE700  }
0x14: {  	[tilespmem:s3], [sflag:$0x7] =	stream.linear.gather [hbm4b:s7+s3], $0x320, $0x38;
	[tilespmem:$0xE740] =	vst v63  }
0x15: {  	_ =	swait.ge [sflag:s14], $0x320  }
0x16: {  	[sflag:s14] =	ssyncset.done $0x0  }
0x17: {  	[sflag:s14] =	ssyncadd.s32 $0xFFFFFCE0  }
0x18: {  	[tilespmem:s16], [sflag:$0x3] =	stream.indirect.gather [hbm4b:s5+s15], $0x20, s3, s15, $0xb8;
	[tilespmem:$0xE740] =	vst v63  }
0x19: {  	s30 =	simm.s32 $0x0  }
0x1a: {  	[tilespmem:s15], [sflag:$0x2] =	stream.linear.gather [hbm4b:s9+s3], $0x320, $0x38;
	[tilespmem:$0xE740] =	vst v63  }
.LBB2_2:
0x1b: {  	p0 =	seq.s32 s30, $0x0  }
0x1c: {  	s0 =	simm.s32 @!p0 $0x6  }
0x1d: {  	_ =	swait.ge @!p0 [sflag:s0], $0x1900  }
0x1e: {  	[sflag:s0] =	ssyncset.done @!p0 $0x0  }
0x1f: {  	[sflag:s0] =	ssyncadd.s32 @!p0 $0xFFFFE700  }
0x20: {  	_ =	swait.ge @!p0 [sflag:s0], $0x1900  }
0x21: {  	[sflag:s0] =	ssyncset.done @!p0 $0x0  }
0x22: {  	[sflag:s0] =	ssyncadd.s32 @!p0 $0xFFFFE700  }
0x23: {  	_ =	swait.ge @!p0 [sflag:s0], $0x1900  }
0x24: {  	[sflag:s0] =	ssyncset.done @!p0 $0x0  }
0x25: {  	[sflag:s0] =	ssyncadd.s32 @!p0 $0xFFFFE700  }
0x26: {  	_ =	swait.ge @!p0 [sflag:s0], $0x1900  }
0x27: {  	[sflag:s0] =	ssyncset.done @!p0 $0x0  }
0x28: {  	[sflag:s0] =	ssyncadd.s32 @!p0 $0xFFFFE700  }
0x29: {  	_ =	swait.ge [sflag:s17], $0x320  }
0x2a: {  	p0 =	seq.s32 s30, $0xF;
	[sflag:s17] =	ssyncset.done $0x0  }
0x2b: {  	s0 =	smul.u32 @!p0 $0x640, s30;
	[sflag:s17] =	ssyncadd.s32 $0xFFFFFCE0  }
0x2c: {  	[tilespmem:s18], [sflag:$0x4] =	stream.indirect.gather [hbm4b:s5+s15], $0x20, s15, s15, $0xb8;
	[tilespmem:$0xE740] =	vst v63  }
0x2d: {  	s0 =	sadd.s32 @!p0 s0, s10;
	_ =	swait.ge [sflag:s19], $0x6400  }
0x2e: {  	s13 =	simm.s32 $0xCE60;
	s0 =	sshrl.u32 @!p0 s0, $0x3;
	[sflag:s19] =	ssyncset.done $0x0  }
0x2f: {  	s1 =	simm.s32 @!p0 $0x0;
	s0 =	sadd.s32 @!p0 s4, s0;
	[sflag:s19] =	ssyncadd.s32 $0xFFFF9C00  }
0x30: {  	[tilespmem:s1], [sflag:$0x1] =	stream.linear.gather @!p0 [hbm4b:s0+s1], $0x320, $0x38;
	[tilespmem:$0xE740] =	vst v63  }
0x31: {  	s1 =	simm.s32 $0x640;
	v0 =	vld [tilespmem:s13+$0x10]  }
0x32: {  	v5 =	vld [tilespmem:s1+$0x4B30]  }
0x33: {  	v8 =	vld [tilespmem:s13+$0xFFFFFFF0]  }
0x34: {  	v4 =	vld [tilespmem:s1+$0x0]  }
0x35: {  	v6 =	vld [tilespmem:s1+$0x10]  }
0x36: {  	v1 =	vld [tilespmem:s1+$0x1900]  }
0x37: {  	v9 =	vld [tilespmem:s1+$0x1910]  }
0x38: {  	v2 =	vld [tilespmem:s1+$0x3200]  }
0x39: {  	v3 =	vld [tilespmem:s13+$0x0]  }
0x3a: {  	v12 =	vld [tilespmem:s1+$0x3210]  }
0x3b: {  	v13 =	vld [tilespmem:s1+$0x4B10]  }
0x3c: {  	v14 =	vld [tilespmem:s1+$0x20]  }
0x3d: {  	v17 =	vld [tilespmem:s1+$0x30]  }
0x3e: {  	v18 =	vld [tilespmem:s1+$0x1920]  }
0x3f: {  	v10 =	vld [tilespmem:s1+$0x1930];
	v7 =	vadd.f32 v5, v0  }
0x40: {  	v5 =	vld [tilespmem:s1+$0x4B00]  }
0x41: {  	v19 =	vadd.f32 v6, v8;
	[tilespmem:s1+$0x4B30] =	vst v7;
	v7 =	vld [tilespmem:s1+$0x3220]  }
0x42: {  	v11 =	vadd.f32 v9, v8;
	v12 =	vadd.f32 v12, v8;
	v6 =	vld [tilespmem:s1+$0x3230]  }
0x43: {  	s31 =	sshll.u32 s30, $0x3;
	v16 =	vadd.f32 v13, v8;
	v15 =	vadd.f32 v14, v3;
	v9 =	vld [tilespmem:s1+$0x4B20]  }
0x44: {  	s6 =	simm.s32 $0x640;
	s0 =	simm.s32 $0x0;
	v8 =	vld [tilespmem:s13+$0xFFFFFFE0];
	v13 =	vadd.f32 v17, v0;
	v14 =	vadd.f32 v18, v3;
	s13 =	simm.s32 $0xCEA0;
	[tilespmem:s1+$0x10] =	vst v19  }
.LBB2_3:
0x45: {  	v17 =	vld [tilespmem:s13+$0x10];
	[tilespmem:s1+$0x1910] =	vst v11;
	v10 =	vadd.f32 v10, v0;
	s6 =	sadd.s32 $0x40, s6  }
0x46: {  	s0 =	sadd.s32 $0x2, s0;
	v11 =	vld [tilespmem:s6+$0x4B30];
	[tilespmem:s1+$0x3210] =	vst v12;
	v7 =	vadd.f32 v7, v3  }
0x47: {  	p0 =	slt.u32 s0, $0xC6;
	v18 =	vld [tilespmem:s13+$0xFFFFFFF0];
	[tilespmem:s1+$0x4B10] =	vst v16;
	v6 =	vadd.f32 v6, v0  }
0x48: {  	v12 =	vld [tilespmem:s6+$0x0];
	[tilespmem:s1+$0x20] =	vst v15;
	v9 =	vadd.f32 v9, v3  }
0x49: {  	v15 =	vld [tilespmem:s6+$0x10];
	v3 =	vadd.f32 v4, v8;
	v4 =	vadd.f32 v1, v8;
	[tilespmem:s1+$0x30] =	vst v13  }
0x4a: {  	v13 =	vadd.f32 v2, v8;
	v8 =	vadd.f32 v5, v8;
	v1 =	vld [tilespmem:s6+$0x1900];
	[tilespmem:s1+$0x1920] =	vst v14;
	v0 =	vmov v17  }
0x4b: {  	v14 =	vld [tilespmem:s6+$0x1910];
	v5 =	vadd.f32 v11, v0;
	[tilespmem:s1+$0x0] =	vst v3  }
0x4c: {  	v2 =	vld [tilespmem:s6+$0x3200];
	[tilespmem:s1+$0x1900] =	vst v4  }
0x4d: {  	v3 =	vld [tilespmem:s13+$0x0];
	[tilespmem:s6+$0x4B30] =	vst v5;
	v4 =	vmov v12  }
0x4e: {  	v17 =	vadd.f32 v15, v18;
	v12 =	vld [tilespmem:s6+$0x3210];
	[tilespmem:s1+$0x3200] =	vst v13  }
0x4f: {  	v5 =	vld [tilespmem:s6+$0x4B00];
	[tilespmem:s1+$0x4B00] =	vst v8  }
0x50: {  	v11 =	vadd.f32 v14, v18;
	v8 =	vld [tilespmem:s6+$0x4B10];
	[tilespmem:s1+$0x1930] =	vst v10  }
0x51: {  	v13 =	vld [tilespmem:s6+$0x20];
	[tilespmem:s1+$0x3220] =	vst v7  }
0x52: {  	v14 =	vld [tilespmem:s6+$0x30];
	[tilespmem:s1+$0x3230] =	vst v6  }
0x53: {  	v12 =	vadd.f32 v12, v18;
	v19 =	vld [tilespmem:s6+$0x1920];
	[tilespmem:s1+$0x4B20] =	vst v9;
	s1 =	smov.u32 s6  }
.Ltmp0:
0x54: {  	v10 =	vld [tilespmem:s6+$0x1930];
	(pc) =	sbr.rel @p0 .LBB2_3-.Ltmp0, $4  }
0x55: {  	v16 =	vadd.f32 v8, v18;
	v7 =	vld [tilespmem:s6+$0x3220]  }
0x56: {  	v15 =	vadd.f32 v13, v3;
	v6 =	vld [tilespmem:s6+$0x3230]  }
0x57: {  	v13 =	vadd.f32 v14, v0;
	v9 =	vld [tilespmem:s6+$0x4B20]  }
0x58: {  	v8 =	vld [tilespmem:s13+$0xFFFFFFE0];
	[tilespmem:s6+$0x10] =	vst v17;
	v14 =	vadd.f32 v19, v3;
	s13 =	sadd.s32 $0x40, s13  }
0x59: {  	[tilespmem:s1+$0x1910] =	vst v11  }
0x5a: {  	[tilespmem:s1+$0x3210] =	vst v12  }
0x5b: {  	[tilespmem:s1+$0x4B10] =	vst v16  }
0x5c: {  	[tilespmem:s1+$0x20] =	vst v15  }
0x5d: {  	[tilespmem:s1+$0x30] =	vst v13;
	v4 =	vadd.f32 v4, v8  }
0x5e: {  	[tilespmem:s1+$0x1920] =	vst v14;
	v1 =	vadd.f32 v1, v8  }
0x5f: {  	v2 =	vadd.f32 v2, v8;
	[tilespmem:s1+$0x0] =	vst v4  }
0x60: {  	v4 =	vadd.f32 v5, v8;
	[tilespmem:s1+$0x1900] =	vst v1  }
0x61: {  	v1 =	vadd.f32 v10, v0;
	[tilespmem:s1+$0x3200] =	vst v2  }
0x62: {  	s31 =	sor.u32 s8, s31;
	v2 =	vadd.f32 v7, v3;
	[tilespmem:s1+$0x4B00] =	vst v4  }
0x63: {  	s0 =	smul.u32 $0x320, s31;
	v0 =	vadd.f32 v6, v0;
	[tilespmem:s1+$0x1930] =	vst v1  }
0x64: {  	s13 =	smul.u32 $0x1900, s31;
	v1 =	vadd.f32 v9, v3;
	[tilespmem:s1+$0x3220] =	vst v2  }
0x65: {  	[tilespmem:s1+$0x3230] =	vst v0  }
0x66: {  	s0 =	sadd.s32 s2, s0;
	s6 =	sshrl.u32 s13, $0x3;
	[tilespmem:s1+$0x4B20] =	vst v1  }
0x67: {  	[hbm4b:s0+s3] =	stream.linear.scatter [tilespmem:s16], [sflag:$0x5], $0x1900, $0x38;
	[tilespmem:$0xE740] =	vst v63  }
0x68: {  	s0 =	sadd.s32 s2, s6  }
0x69: {  	s13 =	sadd.s32 $0x320, s0  }
0x6a: {  	[hbm4b:s13+s3] =	stream.linear.scatter [tilespmem:s20], [sflag:$0x5], $0x1900, $0x38;
	[tilespmem:$0xE740] =	vst v63  }
0x6b: {  	s6 =	sadd.s32 $0x640, s0  }
0x6c: {  	[hbm4b:s6+s3] =	stream.linear.scatter [tilespmem:s21], [sflag:$0x5], $0x1900, $0x38;
	[tilespmem:$0xE740] =	vst v63  }
0x6d: {  	s0 =	sadd.s32 $0x960, s0  }
0x6e: {  	[hbm4b:s0+s3] =	stream.linear.scatter [tilespmem:s22], [sflag:$0x5], $0x1900, $0x38;
	[tilespmem:$0xE740] =	vst v63  }
0x6f: {  	_ =	swait.ge [sflag:s23], $0x1900  }
0x70: {  	[sflag:s23] =	ssyncset.done $0x0  }
0x71: {  	[sflag:s23] =	ssyncadd.s32 $0xFFFFE700  }
0x72: {  	_ =	swait.ge [sflag:s23], $0x1900  }
0x73: {  	[sflag:s23] =	ssyncset.done $0x0  }
0x74: {  	[sflag:s23] =	ssyncadd.s32 $0xFFFFE700  }
0x75: {  	_ =	swait.ge [sflag:s23], $0x1900  }
0x76: {  	[sflag:s23] =	ssyncset.done $0x0  }
0x77: {  	[sflag:s23] =	ssyncadd.s32 $0xFFFFE700  }
0x78: {  	_ =	swait.ge [sflag:s23], $0x1900  }
0x79: {  	p0 =	sne.s32 s30, $0xF;
	[sflag:s23] =	ssyncset.done $0x0  }
0x7a: {  	s0 =	simm.s32 @p0 $0x1;
	[sflag:s23] =	ssyncadd.s32 $0xFFFFE700  }
0x7b: {  	_ =	swait.ge @p0 [sflag:s0], $0x320  }
0x7c: {  	s1 =	simm.s32 @p0 $0x0;
	[sflag:s0] =	ssyncset.done @p0 $0x0  }
0x7d: {  	s6 =	simm.s32 @p0 $0x640;
	[sflag:s0] =	ssyncadd.s32 @p0 $0xFFFFFCE0;
	s0 =	simm.s32 @p0 $0x320  }
0x7e: {  	[tilespmem:s6], [sflag:$0x3] =	stream.indirect.gather @p0 [hbm4b:s5+s0], $0x20, s1, s0, $0xb8;
	[tilespmem:$0xE740] =	vst v63  }
0x7f: {  	s6 =	smul.u32 @p0 $0x640, s30  }
0x80: {  	s13 =	simm.s32 @p0 $0x4  }
0x81: {  	_ =	swait.ge @p0 [sflag:s13], $0x6400;
	s6 =	sadd.s32 @p0 s6, s11  }
0x82: {  	[sflag:s13] =	ssyncset.done @p0 $0x0;
	s6 =	sshrl.u32 @p0 s6, $0x3  }
0x83: {  	[sflag:s13] =	ssyncadd.s32 @p0 $0xFFFF9C00;
	s6 =	sadd.s32 @p0 s4, s6  }
0x84: {  	[tilespmem:s0], [sflag:$0x2] =	stream.linear.gather @p0 [hbm4b:s6+s1], $0x320, $0x38;
	[tilespmem:$0xE740] =	vst v63  }
0x85: {  	s0 =	simm.s32 @!p0 $0x4  }
0x86: {  	_ =	swait.ge @!p0 [sflag:s0], $0x6400  }
0x87: {  	[sflag:s0] =	ssyncset.done @!p0 $0x0  }
0x88: {  	s13 =	simm.s32 $0xCE60;
	[sflag:s0] =	ssyncadd.s32 @!p0 $0xFFFF9C00  }
0x89: {  	s1 =	simm.s32 $0x6A40;
	v0 =	vld [tilespmem:s13+$0x10]  }
0x8a: {  	v5 =	vld [tilespmem:s1+$0x4B30]  }
0x8b: {  	v8 =	vld [tilespmem:s13+$0xFFFFFFF0]  }
0x8c: {  	v4 =	vld [tilespmem:s1+$0x0]  }
0x8d: {  	v6 =	vld [tilespmem:s1+$0x10]  }
0x8e: {  	v1 =	vld [tilespmem:s1+$0x1900]  }
0x8f: {  	v9 =	vld [tilespmem:s1+$0x1910]  }
0x90: {  	v2 =	vld [tilespmem:s1+$0x3200]  }
0x91: {  	v3 =	vld [tilespmem:s13+$0x0]  }
0x92: {  	v12 =	vld [tilespmem:s1+$0x3210]  }
0x93: {  	v13 =	vld [tilespmem:s1+$0x4B10]  }
0x94: {  	v14 =	vld [tilespmem:s1+$0x20]  }
0x95: {  	v17 =	vld [tilespmem:s1+$0x30]  }
0x96: {  	v18 =	vld [tilespmem:s1+$0x1920]  }
0x97: {  	v10 =	vld [tilespmem:s1+$0x1930];
	v7 =	vadd.f32 v5, v0  }
0x98: {  	v5 =	vld [tilespmem:s1+$0x4B00]  }
0x99: {  	v19 =	vadd.f32 v6, v8;
	[tilespmem:s1+$0x4B30] =	vst v7;
	v7 =	vld [tilespmem:s1+$0x3220]  }
0x9a: {  	v11 =	vadd.f32 v9, v8;
	v12 =	vadd.f32 v12, v8;
	v6 =	vld [tilespmem:s1+$0x3230]  }
0x9b: {  	v16 =	vadd.f32 v13, v8;
	v15 =	vadd.f32 v14, v3;
	v9 =	vld [tilespmem:s1+$0x4B20]  }
0x9c: {  	s6 =	simm.s32 $0x6A40;
	s0 =	simm.s32 $0x0;
	v8 =	vld [tilespmem:s13+$0xFFFFFFE0];
	v13 =	vadd.f32 v17, v0;
	v14 =	vadd.f32 v18, v3;
	s13 =	simm.s32 $0xCEA0;
	[tilespmem:s1+$0x10] =	vst v19  }
.LBB2_5:
0x9d: {  	v17 =	vld [tilespmem:s13+$0x10];
	[tilespmem:s1+$0x1910] =	vst v11;
	v10 =	vadd.f32 v10, v0;
	s6 =	sadd.s32 $0x40, s6  }
0x9e: {  	s0 =	sadd.s32 $0x2, s0;
	v11 =	vld [tilespmem:s6+$0x4B30];
	[tilespmem:s1+$0x3210] =	vst v12;
	v7 =	vadd.f32 v7, v3  }
0x9f: {  	p0 =	slt.u32 s0, $0xC6;
	v18 =	vld [tilespmem:s13+$0xFFFFFFF0];
	[tilespmem:s1+$0x4B10] =	vst v16;
	v6 =	vadd.f32 v6, v0  }
0xa0: {  	v12 =	vld [tilespmem:s6+$0x0];
	[tilespmem:s1+$0x20] =	vst v15;
	v9 =	vadd.f32 v9, v3  }
0xa1: {  	v15 =	vld [tilespmem:s6+$0x10];
	v3 =	vadd.f32 v4, v8;
	v4 =	vadd.f32 v1, v8;
	[tilespmem:s1+$0x30] =	vst v13  }
0xa2: {  	v13 =	vadd.f32 v2, v8;
	v8 =	vadd.f32 v5, v8;
	v1 =	vld [tilespmem:s6+$0x1900];
	[tilespmem:s1+$0x1920] =	vst v14;
	v0 =	vmov v17  }
0xa3: {  	v14 =	vld [tilespmem:s6+$0x1910];
	v5 =	vadd.f32 v11, v0;
	[tilespmem:s1+$0x0] =	vst v3  }
0xa4: {  	v2 =	vld [tilespmem:s6+$0x3200];
	[tilespmem:s1+$0x1900] =	vst v4  }
0xa5: {  	v3 =	vld [tilespmem:s13+$0x0];
	[tilespmem:s6+$0x4B30] =	vst v5;
	v4 =	vmov v12  }
0xa6: {  	v17 =	vadd.f32 v15, v18;
	v12 =	vld [tilespmem:s6+$0x3210];
	[tilespmem:s1+$0x3200] =	vst v13  }
0xa7: {  	v5 =	vld [tilespmem:s6+$0x4B00];
	[tilespmem:s1+$0x4B00] =	vst v8  }
0xa8: {  	v11 =	vadd.f32 v14, v18;
	v8 =	vld [tilespmem:s6+$0x4B10];
	[tilespmem:s1+$0x1930] =	vst v10  }
0xa9: {  	v13 =	vld [tilespmem:s6+$0x20];
	[tilespmem:s1+$0x3220] =	vst v7  }
0xaa: {  	v14 =	vld [tilespmem:s6+$0x30];
	[tilespmem:s1+$0x3230] =	vst v6  }
0xab: {  	v12 =	vadd.f32 v12, v18;
	v19 =	vld [tilespmem:s6+$0x1920];
	[tilespmem:s1+$0x4B20] =	vst v9;
	s1 =	smov.u32 s6  }
.Ltmp1:
0xac: {  	v10 =	vld [tilespmem:s6+$0x1930];
	(pc) =	sbr.rel @p0 .LBB2_5-.Ltmp1, $4  }
0xad: {  	v16 =	vadd.f32 v8, v18;
	v7 =	vld [tilespmem:s6+$0x3220]  }
0xae: {  	v15 =	vadd.f32 v13, v3;
	v6 =	vld [tilespmem:s6+$0x3230]  }
0xaf: {  	v13 =	vadd.f32 v14, v0;
	v9 =	vld [tilespmem:s6+$0x4B20]  }
0xb0: {  	v8 =	vld [tilespmem:s13+$0xFFFFFFE0];
	[tilespmem:s6+$0x10] =	vst v17;
	v14 =	vadd.f32 v19, v3;
	s13 =	sadd.s32 $0x40, s13  }
0xb1: {  	[tilespmem:s1+$0x1910] =	vst v11  }
0xb2: {  	[tilespmem:s1+$0x3210] =	vst v12  }
0xb3: {  	[tilespmem:s1+$0x4B10] =	vst v16  }
0xb4: {  	[tilespmem:s1+$0x20] =	vst v15  }
0xb5: {  	[tilespmem:s1+$0x30] =	vst v13;
	v60 =	vadd.f32 v10, v0  }
0xb6: {  	[tilespmem:s1+$0x1920] =	vst v14;
	v61 =	vadd.f32 v7, v3  }
0xb7: {  	v62 =	vadd.f32 v6, v0;
	[tilespmem:s1+$0x1930] =	vst v60  }
0xb8: {  	v63 =	vadd.f32 v9, v3;
	[tilespmem:s1+$0x3220] =	vst v61  }
0xb9: {  	s0 =	sor.u32 $0x4, s31;
	v4 =	vadd.f32 v4, v8;
	[tilespmem:s1+$0x3230] =	vst v62  }
0xba: {  	s6 =	smul.u32 $0x320, s0;
	v1 =	vadd.f32 v1, v8;
	[tilespmem:s1+$0x4B20] =	vst v63  }
0xbb: {  	s0 =	smul.u32 $0x1900, s0;
	v2 =	vadd.f32 v2, v8;
	[tilespmem:s1+$0x0] =	vst v4  }
0xbc: {  	v59 =	vadd.f32 v5, v8;
	[tilespmem:s1+$0x1900] =	vst v1  }
0xbd: {  	s0 =	sshrl.u32 s0, $0x3;
	[tilespmem:s1+$0x3200] =	vst v2  }
0xbe: {  	s30 =	sadd.s32 $0x1, s30;
	s6 =	sadd.s32 s2, s6;
	s0 =	sadd.s32 s2, s0;
	[tilespmem:s1+$0x4B00] =	vst v59  }
0xbf: {  	[hbm4b:s6+s3] =	stream.linear.scatter [tilespmem:s18], [sflag:$0x6], $0x1900, $0x38;
	[tilespmem:$0xE740] =	vst v63  }
0xc0: {  	p0 =	sne.s32 s30, $0x10;
	s13 =	sadd.s32 $0x320, s0  }
0xc1: {  	[hbm4b:s13+s3] =	stream.linear.scatter [tilespmem:s24], [sflag:$0x6], $0x1900, $0x38;
	[tilespmem:$0xE740] =	vst v63  }
.Ltmp2:
0xc2: {  	_ = 	snop;
	(pc) =	sbr.rel @p0 .LBB2_2-.Ltmp2, $4  }
0xc3: {  	s31 =	sadd.s32 $0x640, s0  }
0xc4: {  	[hbm4b:s31+s3] =	stream.linear.scatter [tilespmem:s25], [sflag:$0x6], $0x1900, $0x38;
	[tilespmem:$0xE740] =	vst v63  }
0xc5: {  	s0 =	sadd.s32 $0x960, s0  }
0xc6: {  	[hbm4b:s0+s3] =	stream.linear.scatter [tilespmem:s26], [sflag:$0x6], $0x1900, $0x38;
	[tilespmem:$0xE740] =	vst v63  }
0xc7: {  	_ =	swait.ge [sflag:s28], $0x1900  }
0xc8: {  	[sflag:s28] =	ssyncset.done $0x0  }
0xc9: {  	[sflag:s28] =	ssyncadd.s32 $0xFFFFE700  }
0xca: {  	_ =	swait.ge [sflag:s28], $0x1900  }
0xcb: {  	[sflag:s28] =	ssyncset.done $0x0  }
0xcc: {  	s29 =	sadd.s32 $0x1, s29;
	[sflag:s28] =	ssyncadd.s32 $0xFFFFE700  }
0xcd: {  	p0 =	sne.s32 s29, s12;
	_ =	swait.ge [sflag:s28], $0x1900  }
.Ltmp3:
0xce: {  	[sflag:s28] =	ssyncset.done $0x0;
	(pc) =	sbr.rel @p0 .LBB2_1-.Ltmp3, $4  }
0xcf: {  	[sflag:s28] =	ssyncadd.s32 $0xFFFFE700  }
0xd0: {  	_ =	swait.ge [sflag:s28], $0x1900  }
0xd1: {  	[sflag:s28] =	ssyncset.done $0x0  }
0xd2: {  	[sflag:s28] =	ssyncadd.s32 $0xFFFFE700  }
0xd3: {  	_ =	sfence.sel $0x180000  }
0xd4: {  	[bflag:$0x0] =	sbarrier.arrive $0xFFFF  }
0xd5: {  	_ =	strace $0x90000047  }
0xd6: {  	s0 =	stileid.u32;
	[bflag:$0x2] =	sbarrier.arrive $0xFFFF  }
0xd7: {  	p0 =	sne.s32 s0, $0x0;
	s0 =	rddreg [dreg:$0x2]  }
0xd8: {  	s0 =	sadd.s32 @!p0 $0x100000, s0  }
0xd9: {  	[sflag:s0] =	ssyncadd.tile.s32 @!p0 $0x1;
	_ =	shalt  }
.Lfunc_end2:
_tile_overlayer_lowered:
.L_overlay_start_2:
0xda: {  	(tag) =	ssettag $0x2  }
0xdb: {  	s0 =	rddreg [dreg:$0x0];
	s2 =	stileid.u32  }
0xdc: {  	s1 =	rddreg [dreg:$0x1];
	p0 =	sne.s32 s2, $0x0  }
0xdd: {  	s3 =	rddreg [dreg:$0x2];
	[bflag:$0x3] =	sbarrier.arrive $0xFFFF;
	s2 =	simm.s32 @!p0 $0x1C07  }
0xde: {  	[timem:s3], [sflag:s2] =	dma.local @!p0 [hbm:s0], s1  }
0xdf: {  	s0 =	simm.s32 @!p0 $0x7  }
0xe0: {  	_ =	swait.ge @!p0 [sflag:s0], s1  }
0xe1: {  	s1 =	ssub.s32 @!p0 $0x0, s1;
	[sflag:s0] =	ssyncset.done @!p0 $0x0  }
0xe2: {  	[sflag:s0] =	ssyncadd.s32 @!p0 s1  }
0xe3: {  	[bflag:$0x3] =	sbarrier.arrive $0xFFFF  }
0xe4: {  	_ =	shalt  }

// kernel: sparse-core-data-format-call.cloned.1.call-start
scs
called_computation_lowered:
.L_overlay_start_0:
0x0: {  	s2 =	sld [smem:$0x3FD9]  }
0x1: {  	s3 =	sld [smem:$0x3FFE];
	_ =	sdelay $0x1  }
0x2: {  	s1 =	srdreg.scid  }
0x3: {  	s0 =	sand.u32 $0x1, s1  }
0x4: {  	s18 =	sshll.u32 s0, $0xA;
	s2 =	sadd.s32 s3, s2  }
0x5: {  	s2 =	sadd.s32 s2, s18  }
0x6: {  	[smem:$0x3FC5] =	sst s2  }
0x7: {  	_ = 	snop  }
0x8: {  	s2 =	sld [smem:$0x3FD0];
	(tm) =	ssettm $0x1  }
0x9: {  	s19 =	sld [smem:$0x3FFB];
	_ =	sdelay $0x3  }
0xa: {  	_ =	strace s19  }
0xb: {  	s3 =	sld [smem:$0x3FFC];
	_ =	sdelay $0x3  }
0xc: {  	_ =	strace s3  }
0xd: {  	s3 =	sld [smem:$0x3FFD];
	_ =	sdelay $0x3  }
0xe: {  	_ =	strace s3  }
0xf: {  	_ =	strace $0x8FFFFFFF  }
0x10: {  	s20 =	sld [smem:$0x3FDB];
	_ =	sdelay $0x1  }
0x11: {  	s4 =	simm.s32 $_scs_section_size  }
0x12: {  	s5 =	simm.s32 $_size__tile_overlayer_lowered;
	s6 =	simm.s32 $_tile_overlayer_lowered  }
0x13: {  	s23 =	simm.s32 $0x1BFF;
	s22 =	sshll.u32 s6, $0x1;
	s3 =	sadd.s32 s4, s20  }
0x14: {  	s7 =	simm.s32 $0x0;
	s21 =	sshll.u32 s5, $0x1;
	s5 =	sadd.s32 s22, s3  }
0x15: {  	[timem:s7], [sflag:s23] =	dma.local [hbm:s5], s21  }
0x16: {  	_ =	swait.ge [sflag:s23], s21  }
0x17: {  	s4 =	ssub.s32 $0x0, s21;
	[sflag:s23] =	ssyncset.done $0x0  }
0x18: {  	[sflag:s23] =	ssyncadd.s32 s4;
	_ =	sdelay $0x1  }
0x19: {  	s24 =	simm.s32 $0x1B8B  }
0x1a: {  	_ =	swait.ge [sflag:s24], $0x1  }
0x1b: {  	[sflag:s24] =	ssyncset.done $0x0  }
0x1c: {  	s26 =	simm.s32 $0x1B8E;
	s25 =	sld [smem:$0x3FFE];
	[sflag:s24] =	ssyncadd.s32 $0xFFFFFFFF  }
0x1d: {  	s27 =	simm.s32 $execute0_lowered;
	[smem:$0x3FD2] =	sst s26  }
0x1e: {  	s5 =	sshll.u32 s27, $0x1;
	_ =	strace $0x80000049;
	[dreg:$0x1] =	wrdreg $0xFFFFFFFF  }
0x1f: {  	s28 =	simm.s32 $_size_execute0_lowered;
	s3 =	sadd.s32 s3, s5;
	[dreg:$0x0] =	wrdreg $0x0  }
0x20: {  	s5 =	sshll.u32 s28, $0x1;
	[dreg:$0x2] =	wrdreg s3  }
0x21: {  	[dreg:$0x3] =	wrdreg s5  }
0x22: {  	[dreg:$0x4] =	wrdreg $0xC0  }
0x23: {  	_ =	task [dreg:s7], $0x5FFFF  }
0x24: {  	[dreg:$0x1] =	wrdreg $0xFFFFFFFF  }
0x25: {  	[dreg:$0x0] =	wrdreg $0x60  }
0x26: {  	[dreg:$0x2] =	wrdreg s25  }
0x27: {  	[dreg:$0x3] =	wrdreg s2  }
0x28: {  	[dreg:$0x4] =	wrdreg $0x9  }
0x29: {  	_ =	task.clear_ibuf [dreg:s7], $0x5FFFF;
	_ =	strace $0x90000049  }
0x2a: {  	s29 =	simm.s32 $0x9;
	_ =	strace $0x8000004B  }
0x2b: {  	_ =	swait.ge [sflag:s29], $0x1  }
0x2c: {  	[sflag:s29] =	ssyncadd.s32 $0xFFFFFFFF  }
0x2d: {  	_ =	strace $0x9000004B  }
0x2e: {  	_ =	sfence  }
0x2f: {  	s30 =	sld [smem:$0x0];
	_ =	sdelay $0x2  }
0x30: {  	s31 =	sshll.u32 s1, $0xD;
	s1 =	sshrl.u32 s1, $0x2  }
0x31: {  	s3 =	sand.u32 $0x4000, s31;
	s1 =	sadd.s32 s1, s30  }
0x32: {  	s0 =	sor.u32 s3, s0;
	s1 =	sshll.u32 s1, $0x11  }
0x33: {  	s0 =	sor.u32 s1, s0  }
0x34: {  	s0 =	sadd.s32 $0x8F2B, s0  }
0x35: {  	[sflag:s0] =	ssyncadd.remote.s32 $0x1  }
0x36: {  	_ =	sfence.sel $0xFFFF  }
0x37: {  	[dreg:$0x0] =	wrdreg $0xFFFFFFFF;
	(pc) =	sbr.abs _section_cstart, $3  }
0x38: {  	[dreg:$0x1] =	wrdreg $0xFFFFFFFF  }
0x39: {  	_ =	task.clear_ibuf [dreg:s7], $0x2FFFF;
	_ =	strace $0x9FFFFFFF  }
0x3a: {  	(tm) =	ssettm $0x7FFFFFFF  }
0x3b: {  	_ =	shalt  }
tec
execute0_lowered:
.L_overlay_start_1:
0x0: {  	(tag) =	ssettag $0x1  }
0x1: {  	s0 =	srdreg.scid  }
0x2: {  	s1 =	sshll.u32 s0, $0x4  }
0x3: {  	s0 =	stileid.u32;
	s1 =	sand.u32 $0x10, s1  }
0x4: {  	s1 =	sor.u32 s0, s1  }
0x5: {  	s6 =	rddreg [dreg:$0x0];
	s4 =	simm.s32 $0x1;
	s2 =	sshll.u32 s1, $0x7  }
0x6: {  	s7 =	simm.s32 $0x2;
	s12 =	simm.s32 $0x0;
	s1 =	ssub.s32 $0x1000, s2  }
0x7: {  	s8 =	simm.s32 $0x8000;
	s13 =	simm.s32 $0x0;
	s3 =	sand.u32 $0xF80, s1  }
0x8: {  	s9 =	simm.s32 $0x0;
	s5 =	sshrl.u32 s1, $0xC;
	p0 =	sne.s32 s3, $0x0  }
.Ltmp0:
0x9: {  	s1 =	rddreg [dreg:$0x2];
	s4 =	simm.s32 @!p0 $0x0;
	(pc) =	sbr.rel .LBB1_1-.Ltmp0, $4  }
0xa: {  	s11 =	simm.s32 $0x0;
	s3 =	rddreg [dreg:$0x1];
	s5 =	sadd.s32 s4, s5  }
0xb: {  	_ =	strace $0x8000004A;
	s4 =	simm.s32 $0x1;
	s5 =	smul.u32 $0xC8, s5  }
0xc: {  	s6 =	sadd.s32 $0xC00, s6;
	s10 =	smov.u32 s2;
	[sflag:s4] =	ssyncpa.u1 $0x0  }
0xd: {  	p0 =	por $0x0, $0x0;
	[sflag:s7] =	ssyncpa.u1 $0x0;
	s7 =	sor.u32 $0x1, s5  }
.LBB1_4:
0xe: {  	s16 =	sshll.u32 s13, $0x3;
	s17 =	sand.u32 $0x78, s13  }
0xf: {  	s30 =	sand.u32 $0x3E00, s13;
	s12 =	sshll.u32 s12, $0xE;
	s16 =	sand.u32 $0xC00, s16  }
0x10: {  	s31 =	sand.u32 $0x7, s13;
	s16 =	sor.u32 s17, s16;
	s17 =	sadd.s32 s3, s30  }
0x11: {  	s13 =	sshll.u32 s31, $0x12;
	s16 =	sshrl.u32 s16, $0x3;
	s12 =	sadd.s32 s12, s17  }
0x12: {  	[tilespmem:s15+$0x0 ss:$0x81] =	vst.msk $0xffff, v0;
	s13 =	sor.u32 $0x400, s13;
	s12 =	sadd.s32 s16, s12  }
0x13: {  	[hbm4b:s12+s13] =	stream.strided.scatter [tilespmem:s14], [sflag:$0x2], $0x1000, s8, s13, $0x20;
	[tilespmem:$0x4040] =	vst v63  }
.LBB1_5:
0x14: {  	s14 =	sadd.s32 $0x1, s9  }
0x15: {  	s12 =	sadd.s32 $0x1000, s10;
	s16 =	smov.u32 s10;
	p2 =	sgt.s32 s14, $0xC7  }
0x16: {  	s16 =	smov.u32 @p2 s12  }
0x17: {  	s14 =	simm.s32 @p2 $0x0;
	p2 =	sgt.s32 s16, $0xFFF  }
0x18: {  	s16 =	smov.u32 @p2 s2;
	p2 =	sne.s32 s11, s7  }
.Ltmp1:
0x19: {  	p1 =	slt.u32 s11, $0x2;
	(pc) =	sbr.rel @!p2 .LBB1_6-.Ltmp1, $4  }
0x1a: {  	s15 =	simm.s32 @!p1 $0x2  }
0x1b: {  	s13 =	smov.u32 s10;
	p0 =	por !p0, !p0;
	_ =	swait.ge @!p1 [sflag:s15], $0x1000  }
0x1c: {  	s12 =	smov.u32 s9;
	[sflag:s15] =	ssyncset.done @!p1 $0x0;
	s9 =	smov.u32 s14  }
0x1d: {  	s11 =	sadd.s32 $0x1, s11;
	[sflag:s15] =	ssyncadd.s32 @!p1 $0xFFFFF000;
	s10 =	smov.u32 s16  }
.LBB1_1:
0x1e: {  	p1 =	sge.u32 s11, s5  }
0x1f: {  	s14 =	sand.u32 @!p1 $0x1FFFFFF, s9  }
0x20: {  	s15 =	smulhi.u32 @!p1 $0x147AE15, s14;
	_ =	sdelay $0x1  }
0x21: {  	s15 =	smul.u32 @!p1 $0xC8, s15  }
0x22: {  	s16 =	sxor.u32 @!p1 $0xFFFFFFFF, s11;
	s17 =	smul.u32 @!p1 $0xC80, s10  }
0x23: {  	s31 =	sadd.s32 $0xFFFFFFFF, s11;
	s16 =	sshll.u32 @!p1 s16, $0xC;
	s14 =	ssub.s32 @!p1 s14, s15  }
0x24: {  	s15 =	sand.u32 @!p1 $0x1000, s16;
	s16 =	sadd.s32 @!p1 s6, s17;
	s14 =	sshll.u32 @!p1 s14, $0x4  }
0x25: {  	s17 =	simm.s32 @!p1 $0x6400;
	s14 =	sadd.s32 @!p1 s14, s16;
	s16 =	simm.s32 @!p1 $0x20  }
0x26: {  	[tilespmem:s15], [sflag:$0x1] =	stream.strided.gather @!p1 [hbm4b:s14+s16], $0x1000, s17, s16, $0x38;
	[tilespmem:$0x4040] =	vst v63  }
0x27: {  	p1 =	sge.u32 s31, s5  }
.Ltmp2:
0x28: {  	_ = 	snop;
	(pc) =	sbr.rel @p1 .LBB1_5-.Ltmp2, $1  }
0x29: {  	_ =	sdelay $0x3  }
0x2a: {  	s14 =	simm.s32 $0x1  }
0x2b: {  	_ =	swait.ge [sflag:s4], $0x1000;
	s14 =	simm.s32 @!p0 $0x0  }
0x2c: {  	[sflag:s4] =	ssyncset.done $0x0;
	s15 =	sshll.u32 s14, $0xC  }
0x2d: {  	[sflag:s4] =	ssyncadd.s32 $0xFFFFF000;
	s18 =	sor.u32 $0x10, s15  }
0x2e: {  	s14 =	smul.u32 $0x4080, s14;
	v1 =	vld [tilespmem:s18+$0x0]  }
0x2f: {  	s30 =	sand.u32 $0x1, s11;
	v0 =	vld [tilespmem:s18+$0xFFFFFFF0]  }
0x30: {  	s15 =	smul.u32 $0x4080, s30;
	s14 =	sshrl.u32 s14, $0x2  }
0x31: {  	s16 =	sor.u32 $0x2000, s14  }
0x32: {  	s31 =	sshrl.u32 s15, $0x2;
	s15 =	sadd.s32 $0x0, s16  }
0x33: {  	s17 =	simm.s32 $0x4;
	s18 =	sadd.s32 $0x20, s18;
	s14 =	sor.u32 $0x2000, s31;
	[tilespmem:s15+$0x810 ss:$0x81] =	vst.msk $0xffff, v1  }
.LBB1_3:
0x34: {  	v1 =	vld [tilespmem:s18+$0x0];
	p1 =	sne.s32 s17, $0x1FC;
	[tilespmem:s15+$0x0 ss:$0x81] =	vst.msk $0xffff, v0;
	s15 =	smov.u32 s17;
	s17 =	sadd.s32 $0x4, s17  }
.Ltmp3:
0x35: {  	v0 =	vld [tilespmem:s18+$0xFFFFFFF0];
	(pc) =	sbr.rel @p1 .LBB1_3-.Ltmp3, $4  }
0x36: {  	_ = 	snop  }
0x37: {  	s15 =	sshra.s32 s15, $0x2  }
0x38: {  	s15 =	sadd.s32 s15, s16  }
0x39: {  	s18 =	sadd.s32 $0x20, s18;
	[tilespmem:s15+$0x810 ss:$0x81] =	vst.msk $0xffff, v1  }
.Ltmp4:
0x3a: {  	_ = 	snop;
	(pc) =	sbr.rel .LBB1_4-.Ltmp4, $1  }
0x3b: {  	_ =	sdelay $0x3  }
.LBB1_6:
0x3c: {  	_ =	sfence.sel $0x180000  }
0x3d: {  	s2 =	simm.s32 $0x1;
	[bflag:$0x0] =	sbarrier.arrive $0xFFFF  }
0x3e: {  	s31 =	simm.s32 $0x2;
	[sflag:s2] =	ssyncpa.u1 $0x1  }
0x3f: {  	[sflag:s31] =	ssyncpa.u1 $0x1  }
0x40: {  	p0 =	sne.s32 s0, $0x0;
	_ =	strace $0x9000004A  }
0x41: {  	s0 =	sadd.s32 @!p0 $0x100000, s1;
	[bflag:$0x2] =	sbarrier.arrive $0xFFFF  }
0x42: {  	[sflag:s0] =	ssyncadd.tile.s32 @!p0 $0x1;
	_ =	shalt  }
.Lfunc_end1:
_tile_overlayer_lowered:
.L_overlay_start_2:
0x43: {  	(tag) =	ssettag $0x2  }
0x44: {  	s0 =	rddreg [dreg:$0x0];
	s2 =	stileid.u32  }
0x45: {  	s1 =	rddreg [dreg:$0x1];
	p0 =	sne.s32 s2, $0x0  }
0x46: {  	s3 =	rddreg [dreg:$0x2];
	[bflag:$0x3] =	sbarrier.arrive $0xFFFF;
	s2 =	simm.s32 @!p0 $0x1C01  }
0x47: {  	[timem:s3], [sflag:s2] =	dma.local @!p0 [hbm:s0], s1  }
0x48: {  	s0 =	simm.s32 @!p0 $0x1  }
0x49: {  	_ =	swait.ge @!p0 [sflag:s0], s1  }
0x4a: {  	s1 =	ssub.s32 @!p0 $0x0, s1;
	[sflag:s0] =	ssyncset.done @!p0 $0x0  }
0x4b: {  	[sflag:s0] =	ssyncadd.s32 @!p0 s1  }
0x4c: {  	[bflag:$0x3] =	sbarrier.arrive $0xFFFF  }
0x4d: {  	_ =	shalt  }

</sc_bundles>
